<compile_context>
chip_gen: v7x
topology: tpu7x:2x2x1
jax: 0.10.2.dev20260603
libtpu: 0.0.44.dev20260713+nightly
codegen_flags: <defaults>
</compile_context>

<pallas_src>
import functools

import jax
import jax.numpy as jnp
from jax import lax
from jax.experimental import pallas as pl
from jax.experimental.pallas import tpu as pltpu
from jax.experimental.pallas import tpu_sc as plsc

B = 4096
L = 200
D = 32
NW = 32
B_PER_W = B // NW
G = 4
NG = B_PER_W // G
GL = G * L
GOUT = G * D * L

STREAM_CHUNKS = tuple((o, min(128, GL - o)) for o in range(0, GL, 128))

_mesh = plsc.VectorSubcoreMesh(core_axis_name="c", subcore_axis_name="s")


@functools.partial(
    pl.kernel,
    out_type=jax.ShapeDtypeStruct((B * D * L,), jnp.float32),
    mesh=_mesh,
    compiler_params=pltpu.CompilerParams(
        needs_layout_passes=False, use_tc_tiling_on_sc=False
    ),
    scratch_types=[
        pltpu.VMEM((2, GL), jnp.int32),
        pltpu.VMEM((2, GL, D), jnp.float32),
        pltpu.VMEM((2, GOUT), jnp.float32),
        pltpu.SemaphoreType.DMA,
        pltpu.SemaphoreType.DMA,
        pltpu.SemaphoreType.DMA,
        pltpu.SemaphoreType.DMA,
    ],
)
def _gather_transpose(
    x_hbm, tab_hbm, out_hbm, idx_v, rows_v, trans_v, gsem0, gsem1, osem0, osem1
):
    gsems = (gsem0, gsem1)
    osems = (osem0, osem1)
    wid = lax.axis_index("s") * 2 + lax.axis_index("c")
    w_idx0 = wid * (B_PER_W * L)
    w_out0 = wid * (B_PER_W * D * L)
    scat_base = lax.iota(jnp.int32, 16) * L

    def issue_gather(g, buf):
        pltpu.sync_copy(x_hbm.at[pl.ds(w_idx0 + g * GL, GL)], idx_v.at[buf])
        for off, n in STREAM_CHUNKS:
            pltpu.async_copy(
                tab_hbm.at[idx_v.at[buf, pl.ds(off, n)]],
                rows_v.at[buf, pl.ds(off, n)],
                gsems[buf],
            )

    def drain_gather(buf):
        for off, n in STREAM_CHUNKS:
            pltpu.make_async_copy(
                tab_hbm.at[idx_v.at[buf, pl.ds(off, n)]],
                rows_v.at[buf, pl.ds(off, n)],
                gsems[buf],
            ).wait()

    def transpose(buf):
        @plsc.parallel_loop(0, L, unroll=2)
        def _(l):
            sv = scat_base + l
            for bl in range(G):
                v0 = rows_v[buf, bl * L + l, pl.ds(0, 16)]
                v1 = rows_v[buf, bl * L + l, pl.ds(16, 16)]
                plsc.store_scatter(trans_v.at[buf], [sv + bl * (D * L)], v0)
                plsc.store_scatter(
                    trans_v.at[buf], [sv + bl * (D * L) + 16 * L], v1
                )

    def issue_out(g, buf):
        pltpu.async_copy(
            trans_v.at[buf],
            out_hbm.at[pl.ds(w_out0 + g * GOUT, GOUT)],
            osems[buf],
        )

    def drain_out(g, buf):
        pltpu.make_async_copy(
            trans_v.at[buf],
            out_hbm.at[pl.ds(w_out0 + g * GOUT, GOUT)],
            osems[buf],
        ).wait()

    issue_gather(0, 0)
    issue_gather(1, 1)

    @pl.loop(0, NG, step=2)
    def _(go):
        for sub in (0, 1):
            g = go + sub
            buf = sub
            drain_gather(buf)

            @pl.when(go >= 2)
            def _():
                drain_out(g, buf)

            transpose(buf)
            issue_out(g, buf)

            @pl.when(g + 2 < NG)
            def _():
                issue_gather(g + 2, buf)

    drain_out(NG - 2, 0)
    drain_out(NG - 1, 1)


def kernel(x, embedding_table):
    out = _gather_transpose(x.reshape(-1).astype(jnp.int32), embedding_table)
    return out.reshape(B, D, L)

# --- scband reference (transcript-rebuilt; emitter-appended) ---
"""Pipeline reference for scband-embedding-decoder-40750649705083 (READ-ONLY COPY).

The authoritative reference and input builder live on the scoring server;
editing this copy changes nothing except your own understanding.
"""

import jax, jax.numpy as jnp
import numpy as np

NUM_CLASSES = 1000000
OUTPUT_DIM = 32
BATCH = 4096
HIST_LEN = 200


def setup_inputs(seed: int = 0) -> dict:
    key = jax.random.key(seed)
    k_idx, k_tab = jax.random.split(key)
    x = jax.random.randint(k_idx, (BATCH, HIST_LEN), 0, NUM_CLASSES, dtype=jnp.int64 if jax.config.jax_enable_x64 else jnp.int32)
    embedding_table = jax.random.normal(k_tab, (NUM_CLASSES, OUTPUT_DIM), dtype=jnp.float32)
    return {"x": x, "embedding_table": embedding_table}


def reference(x, embedding_table):
    # n_blocks == 0 path: embedding lookup then transpose(1, 2)
    emb = jnp.take(embedding_table, x, axis=0)  # [B, L, D]
    out = jnp.transpose(emb, (0, 2, 1))         # [B, D, L]
    return out

if __name__ == "__main__":
    import jax
    _d = setup_inputs()
    print(jax.jit(kernel)(*tuple(_d.values())))

</pallas_src>

<mosaic_0001>
#map = affine_map<(d0, d1) -> (0)>
#map1 = affine_map<(d0, d1) -> (0, 0)>
module attributes {stable_mosaic.version = 14 : i64} {
  func.func @_gather_transpose(%arg0: i32, %arg1: i32, %arg2: memref<819200xi32, #tpu.memory_space<hbm>>, %arg3: memref<1000000x32xf32, #tpu.memory_space<hbm>>, %arg4: memref<26214400xf32, #tpu.memory_space<hbm>>, %arg5: memref<2x800xi32, #tpu.memory_space<vmem>>, %arg6: memref<2x800x32xf32, #tpu.memory_space<vmem>>, %arg7: memref<2x25600xf32, #tpu.memory_space<vmem>>, %arg8: memref<!tpu.dma_semaphore, #tpu.memory_space<semaphore_mem>>, %arg9: memref<!tpu.dma_semaphore, #tpu.memory_space<semaphore_mem>>, %arg10: memref<!tpu.dma_semaphore, #tpu.memory_space<semaphore_mem>>, %arg11: memref<!tpu.dma_semaphore, #tpu.memory_space<semaphore_mem>>) attributes {dimension_semantics = [#tpu.dimension_semantics<core_parallel>, #tpu.dimension_semantics<subcore_parallel>], iteration_bounds = array<i64: 2, 16>, scalar_prefetch = 0 : i64, scratch_operands = 7 : i64, tpu.core_type = #tpu.core_type<sc_vector_subcore>, window_params = [{transform_indices = #map}, {transform_indices = #map1}, {transform_indices = #map}]} {
    %mul3A = arith.constant 2 : i32
    %mul3A_0 = arith.muli %arg1, %mul3A : i32
    %add3A = arith.addi %mul3A_0, %arg0 : i32
    %mul3A_1 = arith.constant 25600 : i32
    %mul3A_2 = arith.muli %add3A, %mul3A_1 : i32
    %mul3A_3 = arith.constant 819200 : i32
    %mul3A_4 = arith.muli %add3A, %mul3A_3 : i32
    %iota3A = tpu.iota {dimensions = array<i32: 0>} : vector<16xi32>
    %mul3A_5 = arith.constant 200 : i32
    %mul3A_6 = vector.broadcast %mul3A_5 : i32 to vector<16xi32>
    %mul3A_7 = arith.muli %iota3A, %mul3A_6 : vector<16xi32>
    %add3A_8 = arith.constant 0 : i32
    %add3A_9 = arith.addi %mul3A_2, %add3A_8 : i32
    %run_scoped3A = arith.constant 0 : i32
    "tpu.region"() ({
      %run_scoped3A_205 = tpu.sem_alloc : memref<!tpu.dma_semaphore, #tpu.memory_space<semaphore_mem>>
      %dma_start3A_206 = arith.constant 0 : i32
      %dma_start3A_207 = tpu.memref_slice %arg5[%run_scoped3A, %dma_start3A_206] : memref<2x800xi32, #tpu.memory_space<vmem>> -> memref<1x800xi32, #tpu.memory_space<vmem>>
      %dma_start3A_208 = tpu.memref_squeeze %dma_start3A_207 : memref<1x800xi32, #tpu.memory_space<vmem>> -> memref<800xi32, #tpu.memory_space<vmem>>
      %dma_start3A_209 = tpu.memref_slice %arg2[%add3A_9] : memref<819200xi32, #tpu.memory_space<hbm>> -> memref<800xi32, #tpu.memory_space<hbm>>
      %dma_start3A_210 = arith.constant 0 : i32
      %dma_start3A_211 = tpu.memref_slice %arg5[%run_scoped3A, %dma_start3A_210] : memref<2x800xi32, #tpu.memory_space<vmem>> -> memref<1x800xi32, #tpu.memory_space<vmem>>
      %dma_start3A_212 = tpu.memref_squeeze %dma_start3A_211 : memref<1x800xi32, #tpu.memory_space<vmem>> -> memref<800xi32, #tpu.memory_space<vmem>>
      %dma_start3A_213 = tpu.memref_slice %arg2[%add3A_9] : memref<819200xi32, #tpu.memory_space<hbm>> -> memref<800xi32, #tpu.memory_space<hbm>>
      tpu.enqueue_dma source(%dma_start3A_213 : memref<800xi32, #tpu.memory_space<hbm>>) target(%dma_start3A_212 : memref<800xi32, #tpu.memory_space<vmem>>) target_semaphore(%run_scoped3A_205 : memref<!tpu.dma_semaphore, #tpu.memory_space<semaphore_mem>>)
      %dma_wait3A_214 = arith.constant 0 : i32
      %dma_wait3A_215 = tpu.memref_slice %arg5[%run_scoped3A, %dma_wait3A_214] : memref<2x800xi32, #tpu.memory_space<vmem>> -> memref<1x800xi32, #tpu.memory_space<vmem>>
      %dma_wait3A_216 = tpu.memref_squeeze %dma_wait3A_215 : memref<1x800xi32, #tpu.memory_space<vmem>> -> memref<800xi32, #tpu.memory_space<vmem>>
      %dma_wait3A_217 = tpu.memref_slice %arg2[%add3A_9] : memref<819200xi32, #tpu.memory_space<hbm>> -> memref<800xi32, #tpu.memory_space<hbm>>
      %dma_wait3A_218 = arith.constant 0 : i32
      %dma_wait3A_219 = tpu.memref_slice %arg5[%run_scoped3A, %dma_wait3A_218] : memref<2x800xi32, #tpu.memory_space<vmem>> -> memref<1x800xi32, #tpu.memory_space<vmem>>
      %dma_wait3A_220 = tpu.memref_squeeze %dma_wait3A_219 : memref<1x800xi32, #tpu.memory_space<vmem>> -> memref<800xi32, #tpu.memory_space<vmem>>
      %dma_wait3A_221 = tpu.memref_slice %arg2[%add3A_9] : memref<819200xi32, #tpu.memory_space<hbm>> -> memref<800xi32, #tpu.memory_space<hbm>>
      tpu.wait_dma2 semaphore(%run_scoped3A_205 : memref<!tpu.dma_semaphore, #tpu.memory_space<semaphore_mem>>) src(%dma_wait3A_221 : memref<800xi32, #tpu.memory_space<hbm>>) dst(%dma_wait3A_220 : memref<800xi32, #tpu.memory_space<vmem>>)
      tpu.yield
    }) : () -> ()
    %dma_start3A = arith.constant 0 : i32
    %dma_start3A_10 = arith.constant 0 : i32
    %dma_start3A_11 = arith.constant 0 : i32
    %dma_start3A_12 = arith.constant 0 : i32
    %dma_start3A_13 = tpu.memref_slice %arg6[%dma_start3A_10, %dma_start3A_11, %dma_start3A_12] : memref<2x800x32xf32, #tpu.memory_space<vmem>> -> memref<1x128x32xf32, #tpu.memory_space<vmem>>
    %dma_start3A_14 = tpu.memref_squeeze %dma_start3A_13 : memref<1x128x32xf32, #tpu.memory_space<vmem>> -> memref<128x32xf32, #tpu.memory_space<vmem>>
    %dma_start3A_15 = arith.constant 0 : i32
    %dma_start3A_16 = tpu.memref_slice %arg5[%dma_start3A, %dma_start3A_15] : memref<2x800xi32, #tpu.memory_space<vmem>> -> memref<1x128xi32, #tpu.memory_space<vmem>>
    %dma_start3A_17 = tpu.memref_squeeze %dma_start3A_16 : memref<1x128xi32, #tpu.memory_space<vmem>> -> memref<128xi32, #tpu.memory_space<vmem>>
    %dma_start3A_18 = arith.constant 0 : i32
    %dma_start3A_19 = arith.constant 0 : i32
    %dma_start3A_20 = tpu.memref_slice %arg3[%dma_start3A_18, %dma_start3A_19] : memref<1000000x32xf32, #tpu.memory_space<hbm>> -> memref<1000000x32xf32, #tpu.memory_space<hbm>>
    tpu.enqueue_indirect_dma source(%dma_start3A_20 : memref<1000000x32xf32, #tpu.memory_space<hbm>>) target(%dma_start3A_14 : memref<128x32xf32, #tpu.memory_space<vmem>>) offsets(%dma_start3A_17 : memref<128xi32, #tpu.memory_space<vmem>>) semaphore(%arg8 : memref<!tpu.dma_semaphore, #tpu.memory_space<semaphore_mem>>)
    %dma_start3A_21 = arith.constant 0 : i32
    %dma_start3A_22 = arith.constant 0 : i32
    %dma_start3A_23 = arith.constant 128 : i32
    %dma_start3A_24 = arith.constant 0 : i32
    %dma_start3A_25 = tpu.memref_slice %arg6[%dma_start3A_22, %dma_start3A_23, %dma_start3A_24] : memref<2x800x32xf32, #tpu.memory_space<vmem>> -> memref<1x128x32xf32, #tpu.memory_space<vmem>>
    %dma_start3A_26 = tpu.memref_squeeze %dma_start3A_25 : memref<1x128x32xf32, #tpu.memory_space<vmem>> -> memref<128x32xf32, #tpu.memory_space<vmem>>
    %dma_start3A_27 = arith.constant 128 : i32
    %dma_start3A_28 = tpu.memref_slice %arg5[%dma_start3A_21, %dma_start3A_27] : memref<2x800xi32, #tpu.memory_space<vmem>> -> memref<1x128xi32, #tpu.memory_space<vmem>>
    %dma_start3A_29 = tpu.memref_squeeze %dma_start3A_28 : memref<1x128xi32, #tpu.memory_space<vmem>> -> memref<128xi32, #tpu.memory_space<vmem>>
    %dma_start3A_30 = arith.constant 0 : i32
    %dma_start3A_31 = arith.constant 0 : i32
    %dma_start3A_32 = tpu.memref_slice %arg3[%dma_start3A_30, %dma_start3A_31] : memref<1000000x32xf32, #tpu.memory_space<hbm>> -> memref<1000000x32xf32, #tpu.memory_space<hbm>>
    tpu.enqueue_indirect_dma source(%dma_start3A_32 : memref<1000000x32xf32, #tpu.memory_space<hbm>>) target(%dma_start3A_26 : memref<128x32xf32, #tpu.memory_space<vmem>>) offsets(%dma_start3A_29 : memref<128xi32, #tpu.memory_space<vmem>>) semaphore(%arg8 : memref<!tpu.dma_semaphore, #tpu.memory_space<semaphore_mem>>)
    %dma_start3A_33 = arith.constant 0 : i32
    %dma_start3A_34 = arith.constant 0 : i32
    %dma_start3A_35 = arith.constant 256 : i32
    %dma_start3A_36 = arith.constant 0 : i32
    %dma_start3A_37 = tpu.memref_slice %arg6[%dma_start3A_34, %dma_start3A_35, %dma_start3A_36] : memref<2x800x32xf32, #tpu.memory_space<vmem>> -> memref<1x128x32xf32, #tpu.memory_space<vmem>>
    %dma_start3A_38 = tpu.memref_squeeze %dma_start3A_37 : memref<1x128x32xf32, #tpu.memory_space<vmem>> -> memref<128x32xf32, #tpu.memory_space<vmem>>
    %dma_start3A_39 = arith.constant 256 : i32
    %dma_start3A_40 = tpu.memref_slice %arg5[%dma_start3A_33, %dma_start3A_39] : memref<2x800xi32, #tpu.memory_space<vmem>> -> memref<1x128xi32, #tpu.memory_space<vmem>>
    %dma_start3A_41 = tpu.memref_squeeze %dma_start3A_40 : memref<1x128xi32, #tpu.memory_space<vmem>> -> memref<128xi32, #tpu.memory_space<vmem>>
    %dma_start3A_42 = arith.constant 0 : i32
    %dma_start3A_43 = arith.constant 0 : i32
    %dma_start3A_44 = tpu.memref_slice %arg3[%dma_start3A_42, %dma_start3A_43] : memref<1000000x32xf32, #tpu.memory_space<hbm>> -> memref<1000000x32xf32, #tpu.memory_space<hbm>>
    tpu.enqueue_indirect_dma source(%dma_start3A_44 : memref<1000000x32xf32, #tpu.memory_space<hbm>>) target(%dma_start3A_38 : memref<128x32xf32, #tpu.memory_space<vmem>>) offsets(%dma_start3A_41 : memref<128xi32, #tpu.memory_space<vmem>>) semaphore(%arg8 : memref<!tpu.dma_semaphore, #tpu.memory_space<semaphore_mem>>)
    %dma_start3A_45 = arith.constant 0 : i32
    %dma_start3A_46 = arith.constant 0 : i32
    %dma_start3A_47 = arith.constant 384 : i32
    %dma_start3A_48 = arith.constant 0 : i32
    %dma_start3A_49 = tpu.memref_slice %arg6[%dma_start3A_46, %dma_start3A_47, %dma_start3A_48] : memref<2x800x32xf32, #tpu.memory_space<vmem>> -> memref<1x128x32xf32, #tpu.memory_space<vmem>>
    %dma_start3A_50 = tpu.memref_squeeze %dma_start3A_49 : memref<1x128x32xf32, #tpu.memory_space<vmem>> -> memref<128x32xf32, #tpu.memory_space<vmem>>
    %dma_start3A_51 = arith.constant 384 : i32
    %dma_start3A_52 = tpu.memref_slice %arg5[%dma_start3A_45, %dma_start3A_51] : memref<2x800xi32, #tpu.memory_space<vmem>> -> memref<1x128xi32, #tpu.memory_space<vmem>>
    %dma_start3A_53 = tpu.memref_squeeze %dma_start3A_52 : memref<1x128xi32, #tpu.memory_space<vmem>> -> memref<128xi32, #tpu.memory_space<vmem>>
    %dma_start3A_54 = arith.constant 0 : i32
    %dma_start3A_55 = arith.constant 0 : i32
    %dma_start3A_56 = tpu.memref_slice %arg3[%dma_start3A_54, %dma_start3A_55] : memref<1000000x32xf32, #tpu.memory_space<hbm>> -> memref<1000000x32xf32, #tpu.memory_space<hbm>>
    tpu.enqueue_indirect_dma source(%dma_start3A_56 : memref<1000000x32xf32, #tpu.memory_space<hbm>>) target(%dma_start3A_50 : memref<128x32xf32, #tpu.memory_space<vmem>>) offsets(%dma_start3A_53 : memref<128xi32, #tpu.memory_space<vmem>>) semaphore(%arg8 : memref<!tpu.dma_semaphore, #tpu.memory_space<semaphore_mem>>)
    %dma_start3A_57 = arith.constant 0 : i32
    %dma_start3A_58 = arith.constant 0 : i32
    %dma_start3A_59 = arith.constant 512 : i32
    %dma_start3A_60 = arith.constant 0 : i32
    %dma_start3A_61 = tpu.memref_slice %arg6[%dma_start3A_58, %dma_start3A_59, %dma_start3A_60] : memref<2x800x32xf32, #tpu.memory_space<vmem>> -> memref<1x128x32xf32, #tpu.memory_space<vmem>>
    %dma_start3A_62 = tpu.memref_squeeze %dma_start3A_61 : memref<1x128x32xf32, #tpu.memory_space<vmem>> -> memref<128x32xf32, #tpu.memory_space<vmem>>
    %dma_start3A_63 = arith.constant 512 : i32
    %dma_start3A_64 = tpu.memref_slice %arg5[%dma_start3A_57, %dma_start3A_63] : memref<2x800xi32, #tpu.memory_space<vmem>> -> memref<1x128xi32, #tpu.memory_space<vmem>>
    %dma_start3A_65 = tpu.memref_squeeze %dma_start3A_64 : memref<1x128xi32, #tpu.memory_space<vmem>> -> memref<128xi32, #tpu.memory_space<vmem>>
    %dma_start3A_66 = arith.constant 0 : i32
    %dma_start3A_67 = arith.constant 0 : i32
    %dma_start3A_68 = tpu.memref_slice %arg3[%dma_start3A_66, %dma_start3A_67] : memref<1000000x32xf32, #tpu.memory_space<hbm>> -> memref<1000000x32xf32, #tpu.memory_space<hbm>>
    tpu.enqueue_indirect_dma source(%dma_start3A_68 : memref<1000000x32xf32, #tpu.memory_space<hbm>>) target(%dma_start3A_62 : memref<128x32xf32, #tpu.memory_space<vmem>>) offsets(%dma_start3A_65 : memref<128xi32, #tpu.memory_space<vmem>>) semaphore(%arg8 : memref<!tpu.dma_semaphore, #tpu.memory_space<semaphore_mem>>)
    %dma_start3A_69 = arith.constant 0 : i32
    %dma_start3A_70 = arith.constant 0 : i32
    %dma_start3A_71 = arith.constant 640 : i32
    %dma_start3A_72 = arith.constant 0 : i32
    %dma_start3A_73 = tpu.memref_slice %arg6[%dma_start3A_70, %dma_start3A_71, %dma_start3A_72] : memref<2x800x32xf32, #tpu.memory_space<vmem>> -> memref<1x128x32xf32, #tpu.memory_space<vmem>>
    %dma_start3A_74 = tpu.memref_squeeze %dma_start3A_73 : memref<1x128x32xf32, #tpu.memory_space<vmem>> -> memref<128x32xf32, #tpu.memory_space<vmem>>
    %dma_start3A_75 = arith.constant 640 : i32
    %dma_start3A_76 = tpu.memref_slice %arg5[%dma_start3A_69, %dma_start3A_75] : memref<2x800xi32, #tpu.memory_space<vmem>> -> memref<1x128xi32, #tpu.memory_space<vmem>>
    %dma_start3A_77 = tpu.memref_squeeze %dma_start3A_76 : memref<1x128xi32, #tpu.memory_space<vmem>> -> memref<128xi32, #tpu.memory_space<vmem>>
    %dma_start3A_78 = arith.constant 0 : i32
    %dma_start3A_79 = arith.constant 0 : i32
    %dma_start3A_80 = tpu.memref_slice %arg3[%dma_start3A_78, %dma_start3A_79] : memref<1000000x32xf32, #tpu.memory_space<hbm>> -> memref<1000000x32xf32, #tpu.memory_space<hbm>>
    tpu.enqueue_indirect_dma source(%dma_start3A_80 : memref<1000000x32xf32, #tpu.memory_space<hbm>>) target(%dma_start3A_74 : memref<128x32xf32, #tpu.memory_space<vmem>>) offsets(%dma_start3A_77 : memref<128xi32, #tpu.memory_space<vmem>>) semaphore(%arg8 : memref<!tpu.dma_semaphore, #tpu.memory_space<semaphore_mem>>)
    %dma_start3A_81 = arith.constant 0 : i32
    %dma_start3A_82 = arith.constant 0 : i32
    %dma_start3A_83 = arith.constant 768 : i32
    %dma_start3A_84 = arith.constant 0 : i32
    %dma_start3A_85 = tpu.memref_slice %arg6[%dma_start3A_82, %dma_start3A_83, %dma_start3A_84] : memref<2x800x32xf32, #tpu.memory_space<vmem>> -> memref<1x32x32xf32, #tpu.memory_space<vmem>>
    %dma_start3A_86 = tpu.memref_squeeze %dma_start3A_85 : memref<1x32x32xf32, #tpu.memory_space<vmem>> -> memref<32x32xf32, #tpu.memory_space<vmem>>
    %dma_start3A_87 = arith.constant 768 : i32
    %dma_start3A_88 = tpu.memref_slice %arg5[%dma_start3A_81, %dma_start3A_87] : memref<2x800xi32, #tpu.memory_space<vmem>> -> memref<1x32xi32, #tpu.memory_space<vmem>>
    %dma_start3A_89 = tpu.memref_squeeze %dma_start3A_88 : memref<1x32xi32, #tpu.memory_space<vmem>> -> memref<32xi32, #tpu.memory_space<vmem>>
    %dma_start3A_90 = arith.constant 0 : i32
    %dma_start3A_91 = arith.constant 0 : i32
    %dma_start3A_92 = tpu.memref_slice %arg3[%dma_start3A_90, %dma_start3A_91] : memref<1000000x32xf32, #tpu.memory_space<hbm>> -> memref<1000000x32xf32, #tpu.memory_space<hbm>>
    tpu.enqueue_indirect_dma source(%dma_start3A_92 : memref<1000000x32xf32, #tpu.memory_space<hbm>>) target(%dma_start3A_86 : memref<32x32xf32, #tpu.memory_space<vmem>>) offsets(%dma_start3A_89 : memref<32xi32, #tpu.memory_space<vmem>>) semaphore(%arg8 : memref<!tpu.dma_semaphore, #tpu.memory_space<semaphore_mem>>)
    %add3A_93 = arith.constant 800 : i32
    %add3A_94 = arith.addi %mul3A_2, %add3A_93 : i32
    %run_scoped3A_95 = arith.constant 1 : i32
    "tpu.region"() ({
      %run_scoped3A_205 = tpu.sem_alloc : memref<!tpu.dma_semaphore, #tpu.memory_space<semaphore_mem>>
      %dma_start3A_206 = arith.constant 0 : i32
      %dma_start3A_207 = tpu.memref_slice %arg5[%run_scoped3A_95, %dma_start3A_206] : memref<2x800xi32, #tpu.memory_space<vmem>> -> memref<1x800xi32, #tpu.memory_space<vmem>>
      %dma_start3A_208 = tpu.memref_squeeze %dma_start3A_207 : memref<1x800xi32, #tpu.memory_space<vmem>> -> memref<800xi32, #tpu.memory_space<vmem>>
      %dma_start3A_209 = tpu.memref_slice %arg2[%add3A_94] : memref<819200xi32, #tpu.memory_space<hbm>> -> memref<800xi32, #tpu.memory_space<hbm>>
      %dma_start3A_210 = arith.constant 0 : i32
      %dma_start3A_211 = tpu.memref_slice %arg5[%run_scoped3A_95, %dma_start3A_210] : memref<2x800xi32, #tpu.memory_space<vmem>> -> memref<1x800xi32, #tpu.memory_space<vmem>>
      %dma_start3A_212 = tpu.memref_squeeze %dma_start3A_211 : memref<1x800xi32, #tpu.memory_space<vmem>> -> memref<800xi32, #tpu.memory_space<vmem>>
      %dma_start3A_213 = tpu.memref_slice %arg2[%add3A_94] : memref<819200xi32, #tpu.memory_space<hbm>> -> memref<800xi32, #tpu.memory_space<hbm>>
      tpu.enqueue_dma source(%dma_start3A_213 : memref<800xi32, #tpu.memory_space<hbm>>) target(%dma_start3A_212 : memref<800xi32, #tpu.memory_space<vmem>>) target_semaphore(%run_scoped3A_205 : memref<!tpu.dma_semaphore, #tpu.memory_space<semaphore_mem>>)
      %dma_wait3A_214 = arith.constant 0 : i32
      %dma_wait3A_215 = tpu.memref_slice %arg5[%run_scoped3A_95, %dma_wait3A_214] : memref<2x800xi32, #tpu.memory_space<vmem>> -> memref<1x800xi32, #tpu.memory_space<vmem>>
      %dma_wait3A_216 = tpu.memref_squeeze %dma_wait3A_215 : memref<1x800xi32, #tpu.memory_space<vmem>> -> memref<800xi32, #tpu.memory_space<vmem>>
      %dma_wait3A_217 = tpu.memref_slice %arg2[%add3A_94] : memref<819200xi32, #tpu.memory_space<hbm>> -> memref<800xi32, #tpu.memory_space<hbm>>
      %dma_wait3A_218 = arith.constant 0 : i32
      %dma_wait3A_219 = tpu.memref_slice %arg5[%run_scoped3A_95, %dma_wait3A_218] : memref<2x800xi32, #tpu.memory_space<vmem>> -> memref<1x800xi32, #tpu.memory_space<vmem>>
      %dma_wait3A_220 = tpu.memref_squeeze %dma_wait3A_219 : memref<1x800xi32, #tpu.memory_space<vmem>> -> memref<800xi32, #tpu.memory_space<vmem>>
      %dma_wait3A_221 = tpu.memref_slice %arg2[%add3A_94] : memref<819200xi32, #tpu.memory_space<hbm>> -> memref<800xi32, #tpu.memory_space<hbm>>
      tpu.wait_dma2 semaphore(%run_scoped3A_205 : memref<!tpu.dma_semaphore, #tpu.memory_space<semaphore_mem>>) src(%dma_wait3A_221 : memref<800xi32, #tpu.memory_space<hbm>>) dst(%dma_wait3A_220 : memref<800xi32, #tpu.memory_space<vmem>>)
      tpu.yield
    }) : () -> ()
    %dma_start3A_96 = arith.constant 1 : i32
    %dma_start3A_97 = arith.constant 1 : i32
    %dma_start3A_98 = arith.constant 0 : i32
    %dma_start3A_99 = arith.constant 0 : i32
    %dma_start3A_100 = tpu.memref_slice %arg6[%dma_start3A_97, %dma_start3A_98, %dma_start3A_99] : memref<2x800x32xf32, #tpu.memory_space<vmem>> -> memref<1x128x32xf32, #tpu.memory_space<vmem>>
    %dma_start3A_101 = tpu.memref_squeeze %dma_start3A_100 : memref<1x128x32xf32, #tpu.memory_space<vmem>> -> memref<128x32xf32, #tpu.memory_space<vmem>>
    %dma_start3A_102 = arith.constant 0 : i32
    %dma_start3A_103 = tpu.memref_slice %arg5[%dma_start3A_96, %dma_start3A_102] : memref<2x800xi32, #tpu.memory_space<vmem>> -> memref<1x128xi32, #tpu.memory_space<vmem>>
    %dma_start3A_104 = tpu.memref_squeeze %dma_start3A_103 : memref<1x128xi32, #tpu.memory_space<vmem>> -> memref<128xi32, #tpu.memory_space<vmem>>
    %dma_start3A_105 = arith.constant 0 : i32
    %dma_start3A_106 = arith.constant 0 : i32
    %dma_start3A_107 = tpu.memref_slice %arg3[%dma_start3A_105, %dma_start3A_106] : memref<1000000x32xf32, #tpu.memory_space<hbm>> -> memref<1000000x32xf32, #tpu.memory_space<hbm>>
    tpu.enqueue_indirect_dma source(%dma_start3A_107 : memref<1000000x32xf32, #tpu.memory_space<hbm>>) target(%dma_start3A_101 : memref<128x32xf32, #tpu.memory_space<vmem>>) offsets(%dma_start3A_104 : memref<128xi32, #tpu.memory_space<vmem>>) semaphore(%arg9 : memref<!tpu.dma_semaphore, #tpu.memory_space<semaphore_mem>>)
    %dma_start3A_108 = arith.constant 1 : i32
    %dma_start3A_109 = arith.constant 1 : i32
    %dma_start3A_110 = arith.constant 128 : i32
    %dma_start3A_111 = arith.constant 0 : i32
    %dma_start3A_112 = tpu.memref_slice %arg6[%dma_start3A_109, %dma_start3A_110, %dma_start3A_111] : memref<2x800x32xf32, #tpu.memory_space<vmem>> -> memref<1x128x32xf32, #tpu.memory_space<vmem>>
    %dma_start3A_113 = tpu.memref_squeeze %dma_start3A_112 : memref<1x128x32xf32, #tpu.memory_space<vmem>> -> memref<128x32xf32, #tpu.memory_space<vmem>>
    %dma_start3A_114 = arith.constant 128 : i32
    %dma_start3A_115 = tpu.memref_slice %arg5[%dma_start3A_108, %dma_start3A_114] : memref<2x800xi32, #tpu.memory_space<vmem>> -> memref<1x128xi32, #tpu.memory_space<vmem>>
    %dma_start3A_116 = tpu.memref_squeeze %dma_start3A_115 : memref<1x128xi32, #tpu.memory_space<vmem>> -> memref<128xi32, #tpu.memory_space<vmem>>
    %dma_start3A_117 = arith.constant 0 : i32
    %dma_start3A_118 = arith.constant 0 : i32
    %dma_start3A_119 = tpu.memref_slice %arg3[%dma_start3A_117, %dma_start3A_118] : memref<1000000x32xf32, #tpu.memory_space<hbm>> -> memref<1000000x32xf32, #tpu.memory_space<hbm>>
    tpu.enqueue_indirect_dma source(%dma_start3A_119 : memref<1000000x32xf32, #tpu.memory_space<hbm>>) target(%dma_start3A_113 : memref<128x32xf32, #tpu.memory_space<vmem>>) offsets(%dma_start3A_116 : memref<128xi32, #tpu.memory_space<vmem>>) semaphore(%arg9 : memref<!tpu.dma_semaphore, #tpu.memory_space<semaphore_mem>>)
    %dma_start3A_120 = arith.constant 1 : i32
    %dma_start3A_121 = arith.constant 1 : i32
    %dma_start3A_122 = arith.constant 256 : i32
    %dma_start3A_123 = arith.constant 0 : i32
    %dma_start3A_124 = tpu.memref_slice %arg6[%dma_start3A_121, %dma_start3A_122, %dma_start3A_123] : memref<2x800x32xf32, #tpu.memory_space<vmem>> -> memref<1x128x32xf32, #tpu.memory_space<vmem>>
    %dma_start3A_125 = tpu.memref_squeeze %dma_start3A_124 : memref<1x128x32xf32, #tpu.memory_space<vmem>> -> memref<128x32xf32, #tpu.memory_space<vmem>>
    %dma_start3A_126 = arith.constant 256 : i32
    %dma_start3A_127 = tpu.memref_slice %arg5[%dma_start3A_120, %dma_start3A_126] : memref<2x800xi32, #tpu.memory_space<vmem>> -> memref<1x128xi32, #tpu.memory_space<vmem>>
    %dma_start3A_128 = tpu.memref_squeeze %dma_start3A_127 : memref<1x128xi32, #tpu.memory_space<vmem>> -> memref<128xi32, #tpu.memory_space<vmem>>
    %dma_start3A_129 = arith.constant 0 : i32
    %dma_start3A_130 = arith.constant 0 : i32
    %dma_start3A_131 = tpu.memref_slice %arg3[%dma_start3A_129, %dma_start3A_130] : memref<1000000x32xf32, #tpu.memory_space<hbm>> -> memref<1000000x32xf32, #tpu.memory_space<hbm>>
    tpu.enqueue_indirect_dma source(%dma_start3A_131 : memref<1000000x32xf32, #tpu.memory_space<hbm>>) target(%dma_start3A_125 : memref<128x32xf32, #tpu.memory_space<vmem>>) offsets(%dma_start3A_128 : memref<128xi32, #tpu.memory_space<vmem>>) semaphore(%arg9 : memref<!tpu.dma_semaphore, #tpu.memory_space<semaphore_mem>>)
    %dma_start3A_132 = arith.constant 1 : i32
    %dma_start3A_133 = arith.constant 1 : i32
    %dma_start3A_134 = arith.constant 384 : i32
    %dma_start3A_135 = arith.constant 0 : i32
    %dma_start3A_136 = tpu.memref_slice %arg6[%dma_start3A_133, %dma_start3A_134, %dma_start3A_135] : memref<2x800x32xf32, #tpu.memory_space<vmem>> -> memref<1x128x32xf32, #tpu.memory_space<vmem>>
    %dma_start3A_137 = tpu.memref_squeeze %dma_start3A_136 : memref<1x128x32xf32, #tpu.memory_space<vmem>> -> memref<128x32xf32, #tpu.memory_space<vmem>>
    %dma_start3A_138 = arith.constant 384 : i32
    %dma_start3A_139 = tpu.memref_slice %arg5[%dma_start3A_132, %dma_start3A_138] : memref<2x800xi32, #tpu.memory_space<vmem>> -> memref<1x128xi32, #tpu.memory_space<vmem>>
    %dma_start3A_140 = tpu.memref_squeeze %dma_start3A_139 : memref<1x128xi32, #tpu.memory_space<vmem>> -> memref<128xi32, #tpu.memory_space<vmem>>
    %dma_start3A_141 = arith.constant 0 : i32
    %dma_start3A_142 = arith.constant 0 : i32
    %dma_start3A_143 = tpu.memref_slice %arg3[%dma_start3A_141, %dma_start3A_142] : memref<1000000x32xf32, #tpu.memory_space<hbm>> -> memref<1000000x32xf32, #tpu.memory_space<hbm>>
    tpu.enqueue_indirect_dma source(%dma_start3A_143 : memref<1000000x32xf32, #tpu.memory_space<hbm>>) target(%dma_start3A_137 : memref<128x32xf32, #tpu.memory_space<vmem>>) offsets(%dma_start3A_140 : memref<128xi32, #tpu.memory_space<vmem>>) semaphore(%arg9 : memref<!tpu.dma_semaphore, #tpu.memory_space<semaphore_mem>>)
    %dma_start3A_144 = arith.constant 1 : i32
    %dma_start3A_145 = arith.constant 1 : i32
    %dma_start3A_146 = arith.constant 512 : i32
    %dma_start3A_147 = arith.constant 0 : i32
    %dma_start3A_148 = tpu.memref_slice %arg6[%dma_start3A_145, %dma_start3A_146, %dma_start3A_147] : memref<2x800x32xf32, #tpu.memory_space<vmem>> -> memref<1x128x32xf32, #tpu.memory_space<vmem>>
    %dma_start3A_149 = tpu.memref_squeeze %dma_start3A_148 : memref<1x128x32xf32, #tpu.memory_space<vmem>> -> memref<128x32xf32, #tpu.memory_space<vmem>>
    %dma_start3A_150 = arith.constant 512 : i32
    %dma_start3A_151 = tpu.memref_slice %arg5[%dma_start3A_144, %dma_start3A_150] : memref<2x800xi32, #tpu.memory_space<vmem>> -> memref<1x128xi32, #tpu.memory_space<vmem>>
    %dma_start3A_152 = tpu.memref_squeeze %dma_start3A_151 : memref<1x128xi32, #tpu.memory_space<vmem>> -> memref<128xi32, #tpu.memory_space<vmem>>
    %dma_start3A_153 = arith.constant 0 : i32
    %dma_start3A_154 = arith.constant 0 : i32
    %dma_start3A_155 = tpu.memref_slice %arg3[%dma_start3A_153, %dma_start3A_154] : memref<1000000x32xf32, #tpu.memory_space<hbm>> -> memref<1000000x32xf32, #tpu.memory_space<hbm>>
    tpu.enqueue_indirect_dma source(%dma_start3A_155 : memref<1000000x32xf32, #tpu.memory_space<hbm>>) target(%dma_start3A_149 : memref<128x32xf32, #tpu.memory_space<vmem>>) offsets(%dma_start3A_152 : memref<128xi32, #tpu.memory_space<vmem>>) semaphore(%arg9 : memref<!tpu.dma_semaphore, #tpu.memory_space<semaphore_mem>>)
    %dma_start3A_156 = arith.constant 1 : i32
    %dma_start3A_157 = arith.constant 1 : i32
    %dma_start3A_158 = arith.constant 640 : i32
    %dma_start3A_159 = arith.constant 0 : i32
    %dma_start3A_160 = tpu.memref_slice %arg6[%dma_start3A_157, %dma_start3A_158, %dma_start3A_159] : memref<2x800x32xf32, #tpu.memory_space<vmem>> -> memref<1x128x32xf32, #tpu.memory_space<vmem>>
    %dma_start3A_161 = tpu.memref_squeeze %dma_start3A_160 : memref<1x128x32xf32, #tpu.memory_space<vmem>> -> memref<128x32xf32, #tpu.memory_space<vmem>>
    %dma_start3A_162 = arith.constant 640 : i32
    %dma_start3A_163 = tpu.memref_slice %arg5[%dma_start3A_156, %dma_start3A_162] : memref<2x800xi32, #tpu.memory_space<vmem>> -> memref<1x128xi32, #tpu.memory_space<vmem>>
    %dma_start3A_164 = tpu.memref_squeeze %dma_start3A_163 : memref<1x128xi32, #tpu.memory_space<vmem>> -> memref<128xi32, #tpu.memory_space<vmem>>
    %dma_start3A_165 = arith.constant 0 : i32
    %dma_start3A_166 = arith.constant 0 : i32
    %dma_start3A_167 = tpu.memref_slice %arg3[%dma_start3A_165, %dma_start3A_166] : memref<1000000x32xf32, #tpu.memory_space<hbm>> -> memref<1000000x32xf32, #tpu.memory_space<hbm>>
    tpu.enqueue_indirect_dma source(%dma_start3A_167 : memref<1000000x32xf32, #tpu.memory_space<hbm>>) target(%dma_start3A_161 : memref<128x32xf32, #tpu.memory_space<vmem>>) offsets(%dma_start3A_164 : memref<128xi32, #tpu.memory_space<vmem>>) semaphore(%arg9 : memref<!tpu.dma_semaphore, #tpu.memory_space<semaphore_mem>>)
    %dma_start3A_168 = arith.constant 1 : i32
    %dma_start3A_169 = arith.constant 1 : i32
    %dma_start3A_170 = arith.constant 768 : i32
    %dma_start3A_171 = arith.constant 0 : i32
    %dma_start3A_172 = tpu.memref_slice %arg6[%dma_start3A_169, %dma_start3A_170, %dma_start3A_171] : memref<2x800x32xf32, #tpu.memory_space<vmem>> -> memref<1x32x32xf32, #tpu.memory_space<vmem>>
    %dma_start3A_173 = tpu.memref_squeeze %dma_start3A_172 : memref<1x32x32xf32, #tpu.memory_space<vmem>> -> memref<32x32xf32, #tpu.memory_space<vmem>>
    %dma_start3A_174 = arith.constant 768 : i32
    %dma_start3A_175 = tpu.memref_slice %arg5[%dma_start3A_168, %dma_start3A_174] : memref<2x800xi32, #tpu.memory_space<vmem>> -> memref<1x32xi32, #tpu.memory_space<vmem>>
    %dma_start3A_176 = tpu.memref_squeeze %dma_start3A_175 : memref<1x32xi32, #tpu.memory_space<vmem>> -> memref<32xi32, #tpu.memory_space<vmem>>
    %dma_start3A_177 = arith.constant 0 : i32
    %dma_start3A_178 = arith.constant 0 : i32
    %dma_start3A_179 = tpu.memref_slice %arg3[%dma_start3A_177, %dma_start3A_178] : memref<1000000x32xf32, #tpu.memory_space<hbm>> -> memref<1000000x32xf32, #tpu.memory_space<hbm>>
    tpu.enqueue_indirect_dma source(%dma_start3A_179 : memref<1000000x32xf32, #tpu.memory_space<hbm>>) target(%dma_start3A_173 : memref<32x32xf32, #tpu.memory_space<vmem>>) offsets(%dma_start3A_176 : memref<32xi32, #tpu.memory_space<vmem>>) semaphore(%arg9 : memref<!tpu.dma_semaphore, #tpu.memory_space<semaphore_mem>>)
    %scan3A = arith.constant 0 : i32
    %scan3A_180 = arith.constant 16 : i32
    %scan3A_181 = arith.addi %scan3A, %scan3A_180 : i32
    %scan3A_182 = arith.constant 1 : i32
    scf.for %scan3A_205 = %scan3A to %scan3A_181 step %scan3A_182  : i32 {
      %mul3A_206 = arith.constant 2 : i32
      %mul3A_207 = arith.muli %scan3A_205, %mul3A_206 : i32
      %add3A_208 = arith.constant 0 : i32
      %add3A_209 = arith.addi %add3A_208, %mul3A_207 : i32
      %add3A_210 = arith.constant 0 : i32
      %add3A_211 = arith.addi %add3A_209, %add3A_210 : i32
      %dma_wait3A_212 = arith.constant 0 : i32
      %dma_wait3A_213 = arith.constant 0 : i32
      %dma_wait3A_214 = arith.constant 0 : i32
      %dma_wait3A_215 = arith.constant 0 : i32
      %dma_wait3A_216 = tpu.memref_slice %arg6[%dma_wait3A_213, %dma_wait3A_214, %dma_wait3A_215] : memref<2x800x32xf32, #tpu.memory_space<vmem>> -> memref<1x128x32xf32, #tpu.memory_space<vmem>>
      %dma_wait3A_217 = tpu.memref_squeeze %dma_wait3A_216 : memref<1x128x32xf32, #tpu.memory_space<vmem>> -> memref<128x32xf32, #tpu.memory_space<vmem>>
      %dma_wait3A_218 = arith.constant 0 : i32
      %dma_wait3A_219 = tpu.memref_slice %arg5[%dma_wait3A_212, %dma_wait3A_218] : memref<2x800xi32, #tpu.memory_space<vmem>> -> memref<1x128xi32, #tpu.memory_space<vmem>>
      %dma_wait3A_220 = tpu.memref_squeeze %dma_wait3A_219 : memref<1x128xi32, #tpu.memory_space<vmem>> -> memref<128xi32, #tpu.memory_space<vmem>>
      %dma_wait3A_221 = arith.constant 0 : i32
      %dma_wait3A_222 = arith.constant 0 : i32
      %dma_wait3A_223 = tpu.memref_slice %arg3[%dma_wait3A_221, %dma_wait3A_222] : memref<1000000x32xf32, #tpu.memory_space<hbm>> -> memref<1000000x32xf32, #tpu.memory_space<hbm>>
      tpu.wait_indirect_dma semaphore(%arg8 : memref<!tpu.dma_semaphore, #tpu.memory_space<semaphore_mem>>) src(%dma_wait3A_223 : memref<1000000x32xf32, #tpu.memory_space<hbm>>) dst(%dma_wait3A_217 : memref<128x32xf32, #tpu.memory_space<vmem>>)
      %dma_wait3A_224 = arith.constant 0 : i32
      %dma_wait3A_225 = arith.constant 0 : i32
      %dma_wait3A_226 = arith.constant 128 : i32
      %dma_wait3A_227 = arith.constant 0 : i32
      %dma_wait3A_228 = tpu.memref_slice %arg6[%dma_wait3A_225, %dma_wait3A_226, %dma_wait3A_227] : memref<2x800x32xf32, #tpu.memory_space<vmem>> -> memref<1x128x32xf32, #tpu.memory_space<vmem>>
      %dma_wait3A_229 = tpu.memref_squeeze %dma_wait3A_228 : memref<1x128x32xf32, #tpu.memory_space<vmem>> -> memref<128x32xf32, #tpu.memory_space<vmem>>
      %dma_wait3A_230 = arith.constant 128 : i32
      %dma_wait3A_231 = tpu.memref_slice %arg5[%dma_wait3A_224, %dma_wait3A_230] : memref<2x800xi32, #tpu.memory_space<vmem>> -> memref<1x128xi32, #tpu.memory_space<vmem>>
      %dma_wait3A_232 = tpu.memref_squeeze %dma_wait3A_231 : memref<1x128xi32, #tpu.memory_space<vmem>> -> memref<128xi32, #tpu.memory_space<vmem>>
      %dma_wait3A_233 = arith.constant 0 : i32
      %dma_wait3A_234 = arith.constant 0 : i32
      %dma_wait3A_235 = tpu.memref_slice %arg3[%dma_wait3A_233, %dma_wait3A_234] : memref<1000000x32xf32, #tpu.memory_space<hbm>> -> memref<1000000x32xf32, #tpu.memory_space<hbm>>
      tpu.wait_indirect_dma semaphore(%arg8 : memref<!tpu.dma_semaphore, #tpu.memory_space<semaphore_mem>>) src(%dma_wait3A_235 : memref<1000000x32xf32, #tpu.memory_space<hbm>>) dst(%dma_wait3A_229 : memref<128x32xf32, #tpu.memory_space<vmem>>)
      %dma_wait3A_236 = arith.constant 0 : i32
      %dma_wait3A_237 = arith.constant 0 : i32
      %dma_wait3A_238 = arith.constant 256 : i32
      %dma_wait3A_239 = arith.constant 0 : i32
      %dma_wait3A_240 = tpu.memref_slice %arg6[%dma_wait3A_237, %dma_wait3A_238, %dma_wait3A_239] : memref<2x800x32xf32, #tpu.memory_space<vmem>> -> memref<1x128x32xf32, #tpu.memory_space<vmem>>
      %dma_wait3A_241 = tpu.memref_squeeze %dma_wait3A_240 : memref<1x128x32xf32, #tpu.memory_space<vmem>> -> memref<128x32xf32, #tpu.memory_space<vmem>>
      %dma_wait3A_242 = arith.constant 256 : i32
      %dma_wait3A_243 = tpu.memref_slice %arg5[%dma_wait3A_236, %dma_wait3A_242] : memref<2x800xi32, #tpu.memory_space<vmem>> -> memref<1x128xi32, #tpu.memory_space<vmem>>
      %dma_wait3A_244 = tpu.memref_squeeze %dma_wait3A_243 : memref<1x128xi32, #tpu.memory_space<vmem>> -> memref<128xi32, #tpu.memory_space<vmem>>
      %dma_wait3A_245 = arith.constant 0 : i32
      %dma_wait3A_246 = arith.constant 0 : i32
      %dma_wait3A_247 = tpu.memref_slice %arg3[%dma_wait3A_245, %dma_wait3A_246] : memref<1000000x32xf32, #tpu.memory_space<hbm>> -> memref<1000000x32xf32, #tpu.memory_space<hbm>>
      tpu.wait_indirect_dma semaphore(%arg8 : memref<!tpu.dma_semaphore, #tpu.memory_space<semaphore_mem>>) src(%dma_wait3A_247 : memref<1000000x32xf32, #tpu.memory_space<hbm>>) dst(%dma_wait3A_241 : memref<128x32xf32, #tpu.memory_space<vmem>>)
      %dma_wait3A_248 = arith.constant 0 : i32
      %dma_wait3A_249 = arith.constant 0 : i32
      %dma_wait3A_250 = arith.constant 384 : i32
      %dma_wait3A_251 = arith.constant 0 : i32
      %dma_wait3A_252 = tpu.memref_slice %arg6[%dma_wait3A_249, %dma_wait3A_250, %dma_wait3A_251] : memref<2x800x32xf32, #tpu.memory_space<vmem>> -> memref<1x128x32xf32, #tpu.memory_space<vmem>>
      %dma_wait3A_253 = tpu.memref_squeeze %dma_wait3A_252 : memref<1x128x32xf32, #tpu.memory_space<vmem>> -> memref<128x32xf32, #tpu.memory_space<vmem>>
      %dma_wait3A_254 = arith.constant 384 : i32
      %dma_wait3A_255 = tpu.memref_slice %arg5[%dma_wait3A_248, %dma_wait3A_254] : memref<2x800xi32, #tpu.memory_space<vmem>> -> memref<1x128xi32, #tpu.memory_space<vmem>>
      %dma_wait3A_256 = tpu.memref_squeeze %dma_wait3A_255 : memref<1x128xi32, #tpu.memory_space<vmem>> -> memref<128xi32, #tpu.memory_space<vmem>>
      %dma_wait3A_257 = arith.constant 0 : i32
      %dma_wait3A_258 = arith.constant 0 : i32
      %dma_wait3A_259 = tpu.memref_slice %arg3[%dma_wait3A_257, %dma_wait3A_258] : memref<1000000x32xf32, #tpu.memory_space<hbm>> -> memref<1000000x32xf32, #tpu.memory_space<hbm>>
      tpu.wait_indirect_dma semaphore(%arg8 : memref<!tpu.dma_semaphore, #tpu.memory_space<semaphore_mem>>) src(%dma_wait3A_259 : memref<1000000x32xf32, #tpu.memory_space<hbm>>) dst(%dma_wait3A_253 : memref<128x32xf32, #tpu.memory_space<vmem>>)
      %dma_wait3A_260 = arith.constant 0 : i32
      %dma_wait3A_261 = arith.constant 0 : i32
      %dma_wait3A_262 = arith.constant 512 : i32
      %dma_wait3A_263 = arith.constant 0 : i32
      %dma_wait3A_264 = tpu.memref_slice %arg6[%dma_wait3A_261, %dma_wait3A_262, %dma_wait3A_263] : memref<2x800x32xf32, #tpu.memory_space<vmem>> -> memref<1x128x32xf32, #tpu.memory_space<vmem>>
      %dma_wait3A_265 = tpu.memref_squeeze %dma_wait3A_264 : memref<1x128x32xf32, #tpu.memory_space<vmem>> -> memref<128x32xf32, #tpu.memory_space<vmem>>
      %dma_wait3A_266 = arith.constant 512 : i32
      %dma_wait3A_267 = tpu.memref_slice %arg5[%dma_wait3A_260, %dma_wait3A_266] : memref<2x800xi32, #tpu.memory_space<vmem>> -> memref<1x128xi32, #tpu.memory_space<vmem>>
      %dma_wait3A_268 = tpu.memref_squeeze %dma_wait3A_267 : memref<1x128xi32, #tpu.memory_space<vmem>> -> memref<128xi32, #tpu.memory_space<vmem>>
      %dma_wait3A_269 = arith.constant 0 : i32
      %dma_wait3A_270 = arith.constant 0 : i32
      %dma_wait3A_271 = tpu.memref_slice %arg3[%dma_wait3A_269, %dma_wait3A_270] : memref<1000000x32xf32, #tpu.memory_space<hbm>> -> memref<1000000x32xf32, #tpu.memory_space<hbm>>
      tpu.wait_indirect_dma semaphore(%arg8 : memref<!tpu.dma_semaphore, #tpu.memory_space<semaphore_mem>>) src(%dma_wait3A_271 : memref<1000000x32xf32, #tpu.memory_space<hbm>>) dst(%dma_wait3A_265 : memref<128x32xf32, #tpu.memory_space<vmem>>)
      %dma_wait3A_272 = arith.constant 0 : i32
      %dma_wait3A_273 = arith.constant 0 : i32
      %dma_wait3A_274 = arith.constant 640 : i32
      %dma_wait3A_275 = arith.constant 0 : i32
      %dma_wait3A_276 = tpu.memref_slice %arg6[%dma_wait3A_273, %dma_wait3A_274, %dma_wait3A_275] : memref<2x800x32xf32, #tpu.memory_space<vmem>> -> memref<1x128x32xf32, #tpu.memory_space<vmem>>
      %dma_wait3A_277 = tpu.memref_squeeze %dma_wait3A_276 : memref<1x128x32xf32, #tpu.memory_space<vmem>> -> memref<128x32xf32, #tpu.memory_space<vmem>>
      %dma_wait3A_278 = arith.constant 640 : i32
      %dma_wait3A_279 = tpu.memref_slice %arg5[%dma_wait3A_272, %dma_wait3A_278] : memref<2x800xi32, #tpu.memory_space<vmem>> -> memref<1x128xi32, #tpu.memory_space<vmem>>
      %dma_wait3A_280 = tpu.memref_squeeze %dma_wait3A_279 : memref<1x128xi32, #tpu.memory_space<vmem>> -> memref<128xi32, #tpu.memory_space<vmem>>
      %dma_wait3A_281 = arith.constant 0 : i32
      %dma_wait3A_282 = arith.constant 0 : i32
      %dma_wait3A_283 = tpu.memref_slice %arg3[%dma_wait3A_281, %dma_wait3A_282] : memref<1000000x32xf32, #tpu.memory_space<hbm>> -> memref<1000000x32xf32, #tpu.memory_space<hbm>>
      tpu.wait_indirect_dma semaphore(%arg8 : memref<!tpu.dma_semaphore, #tpu.memory_space<semaphore_mem>>) src(%dma_wait3A_283 : memref<1000000x32xf32, #tpu.memory_space<hbm>>) dst(%dma_wait3A_277 : memref<128x32xf32, #tpu.memory_space<vmem>>)
      %dma_wait3A_284 = arith.constant 0 : i32
      %dma_wait3A_285 = arith.constant 0 : i32
      %dma_wait3A_286 = arith.constant 768 : i32
      %dma_wait3A_287 = arith.constant 0 : i32
      %dma_wait3A_288 = tpu.memref_slice %arg6[%dma_wait3A_285, %dma_wait3A_286, %dma_wait3A_287] : memref<2x800x32xf32, #tpu.memory_space<vmem>> -> memref<1x32x32xf32, #tpu.memory_space<vmem>>
      %dma_wait3A_289 = tpu.memref_squeeze %dma_wait3A_288 : memref<1x32x32xf32, #tpu.memory_space<vmem>> -> memref<32x32xf32, #tpu.memory_space<vmem>>
      %dma_wait3A_290 = arith.constant 768 : i32
      %dma_wait3A_291 = tpu.memref_slice %arg5[%dma_wait3A_284, %dma_wait3A_290] : memref<2x800xi32, #tpu.memory_space<vmem>> -> memref<1x32xi32, #tpu.memory_space<vmem>>
      %dma_wait3A_292 = tpu.memref_squeeze %dma_wait3A_291 : memref<1x32xi32, #tpu.memory_space<vmem>> -> memref<32xi32, #tpu.memory_space<vmem>>
      %dma_wait3A_293 = arith.constant 0 : i32
      %dma_wait3A_294 = arith.constant 0 : i32
      %dma_wait3A_295 = tpu.memref_slice %arg3[%dma_wait3A_293, %dma_wait3A_294] : memref<1000000x32xf32, #tpu.memory_space<hbm>> -> memref<1000000x32xf32, #tpu.memory_space<hbm>>
      tpu.wait_indirect_dma semaphore(%arg8 : memref<!tpu.dma_semaphore, #tpu.memory_space<semaphore_mem>>) src(%dma_wait3A_295 : memref<1000000x32xf32, #tpu.memory_space<hbm>>) dst(%dma_wait3A_289 : memref<32x32xf32, #tpu.memory_space<vmem>>)
      %ge3A = arith.constant 2 : i32
      %ge3A_296 = arith.cmpi sge, %add3A_209, %ge3A : i32
      %convert_element_type3A = arith.extui %ge3A_296 : i1 to i32
      %cond3A = arith.constant 0 : i32
      %cond3A_297 = arith.cmpi ne, %convert_element_type3A, %cond3A : i32
      scf.if %cond3A_297 {
        %mul3A_431 = arith.constant 25600 : i32
        %mul3A_432 = arith.muli %add3A_211, %mul3A_431 : i32
        %add3A_433 = arith.addi %mul3A_4, %mul3A_432 : i32
        %dma_wait3A_434 = arith.constant 0 : i32
        %dma_wait3A_435 = arith.constant 0 : i32
        %dma_wait3A_436 = tpu.memref_slice %arg7[%dma_wait3A_434, %dma_wait3A_435] : memref<2x25600xf32, #tpu.memory_space<vmem>> -> memref<1x25600xf32, #tpu.memory_space<vmem>>
        %dma_wait3A_437 = tpu.memref_squeeze %dma_wait3A_436 : memref<1x25600xf32, #tpu.memory_space<vmem>> -> memref<25600xf32, #tpu.memory_space<vmem>>
        %dma_wait3A_438 = tpu.memref_slice %arg4[%add3A_433] : memref<26214400xf32, #tpu.memory_space<hbm>> -> memref<25600xf32, #tpu.memory_space<hbm>>
        %dma_wait3A_439 = tpu.memref_slice %arg4[%add3A_433] : memref<26214400xf32, #tpu.memory_space<hbm>> -> memref<25600xf32, #tpu.memory_space<hbm>>
        %dma_wait3A_440 = arith.constant 0 : i32
        %dma_wait3A_441 = tpu.memref_slice %arg7[%dma_wait3A_434, %dma_wait3A_440] : memref<2x25600xf32, #tpu.memory_space<vmem>> -> memref<1x25600xf32, #tpu.memory_space<vmem>>
        %dma_wait3A_442 = tpu.memref_squeeze %dma_wait3A_441 : memref<1x25600xf32, #tpu.memory_space<vmem>> -> memref<25600xf32, #tpu.memory_space<vmem>>
        tpu.wait_dma2 semaphore(%arg10 : memref<!tpu.dma_semaphore, #tpu.memory_space<semaphore_mem>>) src(%dma_wait3A_442 : memref<25600xf32, #tpu.memory_space<vmem>>) dst(%dma_wait3A_439 : memref<25600xf32, #tpu.memory_space<hbm>>)
      } else {
      }
      %parallel_loop3A = arith.constant 0 : i32
      %parallel_loop3A_298 = arith.constant 200 : i32
      %parallel_loop3A_299 = arith.constant 1 : i32
      scf.for %parallel_loop3A_431 = %parallel_loop3A to %parallel_loop3A_298 step %parallel_loop3A_299  : i32 {
        %parallel_loop3A_432 = vector.broadcast %parallel_loop3A_431 : i32 to vector<16xi32>
        %parallel_loop3A_433 = arith.addi %mul3A_7, %parallel_loop3A_432 : vector<16xi32>
        %parallel_loop3A_434 = arith.constant 0 : i32
        %parallel_loop3A_435 = arith.addi %parallel_loop3A_434, %parallel_loop3A_431 : i32
        %parallel_loop3A_436 = arith.constant 0 : i32
        %parallel_loop3A_437 = arith.index_cast %parallel_loop3A_436 : i32 to index
        %parallel_loop3A_438 = arith.index_cast %parallel_loop3A_435 : i32 to index
        %parallel_loop3A_439 = arith.constant 0 : index
        %parallel_loop3A_440 = tpu.vector_load %arg6[%parallel_loop3A_437, %parallel_loop3A_438, %parallel_loop3A_439] {strides = array<i32>} : memref<2x800x32xf32, #tpu.memory_space<vmem>>, vector<16xf32>,
        %parallel_loop3A_441 = arith.constant 0 : i32
        %parallel_loop3A_442 = arith.addi %parallel_loop3A_441, %parallel_loop3A_431 : i32
        %parallel_loop3A_443 = arith.constant 0 : i32
        %parallel_loop3A_444 = arith.index_cast %parallel_loop3A_443 : i32 to index
        %parallel_loop3A_445 = arith.index_cast %parallel_loop3A_442 : i32 to index
        %parallel_loop3A_446 = arith.constant 16 : index
        %parallel_loop3A_447 = tpu.vector_load %arg6[%parallel_loop3A_444, %parallel_loop3A_445, %parallel_loop3A_446] {strides = array<i32>} : memref<2x800x32xf32, #tpu.memory_space<vmem>>, vector<16xf32>,
        %parallel_loop3A_448 = arith.constant 0 : i32
        %parallel_loop3A_449 = vector.broadcast %parallel_loop3A_448 : i32 to vector<16xi32>
        %parallel_loop3A_450 = arith.addi %parallel_loop3A_433, %parallel_loop3A_449 : vector<16xi32>
        %parallel_loop3A_451 = arith.constant 0 : i32
        %parallel_loop3A_452 = arith.constant 0 : i32
        %parallel_loop3A_453 = tpu.memref_slice %arg7[%parallel_loop3A_451, %parallel_loop3A_452] : memref<2x25600xf32, #tpu.memory_space<vmem>> -> memref<1x25600xf32, #tpu.memory_space<vmem>>
        %parallel_loop3A_454 = tpu.memref_squeeze %parallel_loop3A_453 : memref<1x25600xf32, #tpu.memory_space<vmem>> -> memref<25600xf32, #tpu.memory_space<vmem>>
        tpu.vector_store_idx %parallel_loop3A_454[%parallel_loop3A_450], %parallel_loop3A_440 : memref<25600xf32, #tpu.memory_space<vmem>>[vector<16xi32>], vector<16xf32>,
        %parallel_loop3A_455 = arith.constant 0 : i32
        %parallel_loop3A_456 = vector.broadcast %parallel_loop3A_455 : i32 to vector<16xi32>
        %parallel_loop3A_457 = arith.addi %parallel_loop3A_433, %parallel_loop3A_456 : vector<16xi32>
        %parallel_loop3A_458 = arith.constant 3200 : i32
        %parallel_loop3A_459 = vector.broadcast %parallel_loop3A_458 : i32 to vector<16xi32>
        %parallel_loop3A_460 = arith.addi %parallel_loop3A_457, %parallel_loop3A_459 : vector<16xi32>
        %parallel_loop3A_461 = arith.constant 0 : i32
        %parallel_loop3A_462 = arith.constant 0 : i32
        %parallel_loop3A_463 = tpu.memref_slice %arg7[%parallel_loop3A_461, %parallel_loop3A_462] : memref<2x25600xf32, #tpu.memory_space<vmem>> -> memref<1x25600xf32, #tpu.memory_space<vmem>>
        %parallel_loop3A_464 = tpu.memref_squeeze %parallel_loop3A_463 : memref<1x25600xf32, #tpu.memory_space<vmem>> -> memref<25600xf32, #tpu.memory_space<vmem>>
        tpu.vector_store_idx %parallel_loop3A_464[%parallel_loop3A_460], %parallel_loop3A_447 : memref<25600xf32, #tpu.memory_space<vmem>>[vector<16xi32>], vector<16xf32>,
        %parallel_loop3A_465 = arith.constant 200 : i32
        %parallel_loop3A_466 = arith.addi %parallel_loop3A_465, %parallel_loop3A_431 : i32
        %parallel_loop3A_467 = arith.constant 0 : i32
        %parallel_loop3A_468 = arith.index_cast %parallel_loop3A_467 : i32 to index
        %parallel_loop3A_469 = arith.index_cast %parallel_loop3A_466 : i32 to index
        %parallel_loop3A_470 = arith.constant 0 : index
        %parallel_loop3A_471 = tpu.vector_load %arg6[%parallel_loop3A_468, %parallel_loop3A_469, %parallel_loop3A_470] {strides = array<i32>} : memref<2x800x32xf32, #tpu.memory_space<vmem>>, vector<16xf32>,
        %parallel_loop3A_472 = arith.constant 200 : i32
        %parallel_loop3A_473 = arith.addi %parallel_loop3A_472, %parallel_loop3A_431 : i32
        %parallel_loop3A_474 = arith.constant 0 : i32
        %parallel_loop3A_475 = arith.index_cast %parallel_loop3A_474 : i32 to index
        %parallel_loop3A_476 = arith.index_cast %parallel_loop3A_473 : i32 to index
        %parallel_loop3A_477 = arith.constant 16 : index
        %parallel_loop3A_478 = tpu.vector_load %arg6[%parallel_loop3A_475, %parallel_loop3A_476, %parallel_loop3A_477] {strides = array<i32>} : memref<2x800x32xf32, #tpu.memory_space<vmem>>, vector<16xf32>,
        %parallel_loop3A_479 = arith.constant 6400 : i32
        %parallel_loop3A_480 = vector.broadcast %parallel_loop3A_479 : i32 to vector<16xi32>
        %parallel_loop3A_481 = arith.addi %parallel_loop3A_433, %parallel_loop3A_480 : vector<16xi32>
        %parallel_loop3A_482 = arith.constant 0 : i32
        %parallel_loop3A_483 = arith.constant 0 : i32
        %parallel_loop3A_484 = tpu.memref_slice %arg7[%parallel_loop3A_482, %parallel_loop3A_483] : memref<2x25600xf32, #tpu.memory_space<vmem>> -> memref<1x25600xf32, #tpu.memory_space<vmem>>
        %parallel_loop3A_485 = tpu.memref_squeeze %parallel_loop3A_484 : memref<1x25600xf32, #tpu.memory_space<vmem>> -> memref<25600xf32, #tpu.memory_space<vmem>>
        tpu.vector_store_idx %parallel_loop3A_485[%parallel_loop3A_481], %parallel_loop3A_471 : memref<25600xf32, #tpu.memory_space<vmem>>[vector<16xi32>], vector<16xf32>,
        %parallel_loop3A_486 = arith.constant 6400 : i32
        %parallel_loop3A_487 = vector.broadcast %parallel_loop3A_486 : i32 to vector<16xi32>
        %parallel_loop3A_488 = arith.addi %parallel_loop3A_433, %parallel_loop3A_487 : vector<16xi32>
        %parallel_loop3A_489 = arith.constant 3200 : i32
        %parallel_loop3A_490 = vector.broadcast %parallel_loop3A_489 : i32 to vector<16xi32>
        %parallel_loop3A_491 = arith.addi %parallel_loop3A_488, %parallel_loop3A_490 : vector<16xi32>
        %parallel_loop3A_492 = arith.constant 0 : i32
        %parallel_loop3A_493 = arith.constant 0 : i32
        %parallel_loop3A_494 = tpu.memref_slice %arg7[%parallel_loop3A_492, %parallel_loop3A_493] : memref<2x25600xf32, #tpu.memory_space<vmem>> -> memref<1x25600xf32, #tpu.memory_space<vmem>>
        %parallel_loop3A_495 = tpu.memref_squeeze %parallel_loop3A_494 : memref<1x25600xf32, #tpu.memory_space<vmem>> -> memref<25600xf32, #tpu.memory_space<vmem>>
        tpu.vector_store_idx %parallel_loop3A_495[%parallel_loop3A_491], %parallel_loop3A_478 : memref<25600xf32, #tpu.memory_space<vmem>>[vector<16xi32>], vector<16xf32>,
        %parallel_loop3A_496 = arith.constant 400 : i32
        %parallel_loop3A_497 = arith.addi %parallel_loop3A_496, %parallel_loop3A_431 : i32
        %parallel_loop3A_498 = arith.constant 0 : i32
        %parallel_loop3A_499 = arith.index_cast %parallel_loop3A_498 : i32 to index
        %parallel_loop3A_500 = arith.index_cast %parallel_loop3A_497 : i32 to index
        %parallel_loop3A_501 = arith.constant 0 : index
        %parallel_loop3A_502 = tpu.vector_load %arg6[%parallel_loop3A_499, %parallel_loop3A_500, %parallel_loop3A_501] {strides = array<i32>} : memref<2x800x32xf32, #tpu.memory_space<vmem>>, vector<16xf32>,
        %parallel_loop3A_503 = arith.constant 400 : i32
        %parallel_loop3A_504 = arith.addi %parallel_loop3A_503, %parallel_loop3A_431 : i32
        %parallel_loop3A_505 = arith.constant 0 : i32
        %parallel_loop3A_506 = arith.index_cast %parallel_loop3A_505 : i32 to index
        %parallel_loop3A_507 = arith.index_cast %parallel_loop3A_504 : i32 to index
        %parallel_loop3A_508 = arith.constant 16 : index
        %parallel_loop3A_509 = tpu.vector_load %arg6[%parallel_loop3A_506, %parallel_loop3A_507, %parallel_loop3A_508] {strides = array<i32>} : memref<2x800x32xf32, #tpu.memory_space<vmem>>, vector<16xf32>,
        %parallel_loop3A_510 = arith.constant 12800 : i32
        %parallel_loop3A_511 = vector.broadcast %parallel_loop3A_510 : i32 to vector<16xi32>
        %parallel_loop3A_512 = arith.addi %parallel_loop3A_433, %parallel_loop3A_511 : vector<16xi32>
        %parallel_loop3A_513 = arith.constant 0 : i32
        %parallel_loop3A_514 = arith.constant 0 : i32
        %parallel_loop3A_515 = tpu.memref_slice %arg7[%parallel_loop3A_513, %parallel_loop3A_514] : memref<2x25600xf32, #tpu.memory_space<vmem>> -> memref<1x25600xf32, #tpu.memory_space<vmem>>
        %parallel_loop3A_516 = tpu.memref_squeeze %parallel_loop3A_515 : memref<1x25600xf32, #tpu.memory_space<vmem>> -> memref<25600xf32, #tpu.memory_space<vmem>>
        tpu.vector_store_idx %parallel_loop3A_516[%parallel_loop3A_512], %parallel_loop3A_502 : memref<25600xf32, #tpu.memory_space<vmem>>[vector<16xi32>], vector<16xf32>,
        %parallel_loop3A_517 = arith.constant 12800 : i32
        %parallel_loop3A_518 = vector.broadcast %parallel_loop3A_517 : i32 to vector<16xi32>
        %parallel_loop3A_519 = arith.addi %parallel_loop3A_433, %parallel_loop3A_518 : vector<16xi32>
        %parallel_loop3A_520 = arith.constant 3200 : i32
        %parallel_loop3A_521 = vector.broadcast %parallel_loop3A_520 : i32 to vector<16xi32>
        %parallel_loop3A_522 = arith.addi %parallel_loop3A_519, %parallel_loop3A_521 : vector<16xi32>
        %parallel_loop3A_523 = arith.constant 0 : i32
        %parallel_loop3A_524 = arith.constant 0 : i32
        %parallel_loop3A_525 = tpu.memref_slice %arg7[%parallel_loop3A_523, %parallel_loop3A_524] : memref<2x25600xf32, #tpu.memory_space<vmem>> -> memref<1x25600xf32, #tpu.memory_space<vmem>>
        %parallel_loop3A_526 = tpu.memref_squeeze %parallel_loop3A_525 : memref<1x25600xf32, #tpu.memory_space<vmem>> -> memref<25600xf32, #tpu.memory_space<vmem>>
        tpu.vector_store_idx %parallel_loop3A_526[%parallel_loop3A_522], %parallel_loop3A_509 : memref<25600xf32, #tpu.memory_space<vmem>>[vector<16xi32>], vector<16xf32>,
        %parallel_loop3A_527 = arith.constant 600 : i32
        %parallel_loop3A_528 = arith.addi %parallel_loop3A_527, %parallel_loop3A_431 : i32
        %parallel_loop3A_529 = arith.constant 0 : i32
        %parallel_loop3A_530 = arith.index_cast %parallel_loop3A_529 : i32 to index
        %parallel_loop3A_531 = arith.index_cast %parallel_loop3A_528 : i32 to index
        %parallel_loop3A_532 = arith.constant 0 : index
        %parallel_loop3A_533 = tpu.vector_load %arg6[%parallel_loop3A_530, %parallel_loop3A_531, %parallel_loop3A_532] {strides = array<i32>} : memref<2x800x32xf32, #tpu.memory_space<vmem>>, vector<16xf32>,
        %parallel_loop3A_534 = arith.constant 600 : i32
        %parallel_loop3A_535 = arith.addi %parallel_loop3A_534, %parallel_loop3A_431 : i32
        %parallel_loop3A_536 = arith.constant 0 : i32
        %parallel_loop3A_537 = arith.index_cast %parallel_loop3A_536 : i32 to index
        %parallel_loop3A_538 = arith.index_cast %parallel_loop3A_535 : i32 to index
        %parallel_loop3A_539 = arith.constant 16 : index
        %parallel_loop3A_540 = tpu.vector_load %arg6[%parallel_loop3A_537, %parallel_loop3A_538, %parallel_loop3A_539] {strides = array<i32>} : memref<2x800x32xf32, #tpu.memory_space<vmem>>, vector<16xf32>,
        %parallel_loop3A_541 = arith.constant 19200 : i32
        %parallel_loop3A_542 = vector.broadcast %parallel_loop3A_541 : i32 to vector<16xi32>
        %parallel_loop3A_543 = arith.addi %parallel_loop3A_433, %parallel_loop3A_542 : vector<16xi32>
        %parallel_loop3A_544 = arith.constant 0 : i32
        %parallel_loop3A_545 = arith.constant 0 : i32
        %parallel_loop3A_546 = tpu.memref_slice %arg7[%parallel_loop3A_544, %parallel_loop3A_545] : memref<2x25600xf32, #tpu.memory_space<vmem>> -> memref<1x25600xf32, #tpu.memory_space<vmem>>
        %parallel_loop3A_547 = tpu.memref_squeeze %parallel_loop3A_546 : memref<1x25600xf32, #tpu.memory_space<vmem>> -> memref<25600xf32, #tpu.memory_space<vmem>>
        tpu.vector_store_idx %parallel_loop3A_547[%parallel_loop3A_543], %parallel_loop3A_533 : memref<25600xf32, #tpu.memory_space<vmem>>[vector<16xi32>], vector<16xf32>,
        %parallel_loop3A_548 = arith.constant 19200 : i32
        %parallel_loop3A_549 = vector.broadcast %parallel_loop3A_548 : i32 to vector<16xi32>
        %parallel_loop3A_550 = arith.addi %parallel_loop3A_433, %parallel_loop3A_549 : vector<16xi32>
        %parallel_loop3A_551 = arith.constant 3200 : i32
        %parallel_loop3A_552 = vector.broadcast %parallel_loop3A_551 : i32 to vector<16xi32>
        %parallel_loop3A_553 = arith.addi %parallel_loop3A_550, %parallel_loop3A_552 : vector<16xi32>
        %parallel_loop3A_554 = arith.constant 0 : i32
        %parallel_loop3A_555 = arith.constant 0 : i32
        %parallel_loop3A_556 = tpu.memref_slice %arg7[%parallel_loop3A_554, %parallel_loop3A_555] : memref<2x25600xf32, #tpu.memory_space<vmem>> -> memref<1x25600xf32, #tpu.memory_space<vmem>>
        %parallel_loop3A_557 = tpu.memref_squeeze %parallel_loop3A_556 : memref<1x25600xf32, #tpu.memory_space<vmem>> -> memref<25600xf32, #tpu.memory_space<vmem>>
        tpu.vector_store_idx %parallel_loop3A_557[%parallel_loop3A_553], %parallel_loop3A_540 : memref<25600xf32, #tpu.memory_space<vmem>>[vector<16xi32>], vector<16xf32>,
      } {sc.loop_unroll_factor = 2 : i64, sc.parallel_access}
      %mul3A_300 = arith.constant 25600 : i32
      %mul3A_301 = arith.muli %add3A_211, %mul3A_300 : i32
      %add3A_302 = arith.addi %mul3A_4, %mul3A_301 : i32
      %dma_start3A_303 = arith.constant 0 : i32
      %dma_start3A_304 = arith.constant 0 : i32
      %dma_start3A_305 = tpu.memref_slice %arg7[%dma_start3A_303, %dma_start3A_304] : memref<2x25600xf32, #tpu.memory_space<vmem>> -> memref<1x25600xf32, #tpu.memory_space<vmem>>
      %dma_start3A_306 = tpu.memref_squeeze %dma_start3A_305 : memref<1x25600xf32, #tpu.memory_space<vmem>> -> memref<25600xf32, #tpu.memory_space<vmem>>
      %dma_start3A_307 = tpu.memref_slice %arg4[%add3A_302] : memref<26214400xf32, #tpu.memory_space<hbm>> -> memref<25600xf32, #tpu.memory_space<hbm>>
      %dma_start3A_308 = tpu.memref_slice %arg4[%add3A_302] : memref<26214400xf32, #tpu.memory_space<hbm>> -> memref<25600xf32, #tpu.memory_space<hbm>>
      %dma_start3A_309 = arith.constant 0 : i32
      %dma_start3A_310 = tpu.memref_slice %arg7[%dma_start3A_303, %dma_start3A_309] : memref<2x25600xf32, #tpu.memory_space<vmem>> -> memref<1x25600xf32, #tpu.memory_space<vmem>>
      %dma_start3A_311 = tpu.memref_squeeze %dma_start3A_310 : memref<1x25600xf32, #tpu.memory_space<vmem>> -> memref<25600xf32, #tpu.memory_space<vmem>>
      tpu.enqueue_dma source(%dma_start3A_311 : memref<25600xf32, #tpu.memory_space<vmem>>) target(%dma_start3A_308 : memref<25600xf32, #tpu.memory_space<hbm>>) target_semaphore(%arg10 : memref<!tpu.dma_semaphore, #tpu.memory_space<semaphore_mem>>)
      %add3A_312 = arith.constant 2 : i32
      %add3A_313 = arith.addi %add3A_211, %add3A_312 : i32
      %lt3A = arith.constant 32 : i32
      %lt3A_314 = arith.cmpi slt, %add3A_313, %lt3A : i32
      %convert_element_type3A_315 = arith.extui %lt3A_314 : i1 to i32
      %cond3A_316 = arith.constant 0 : i32
      %cond3A_317 = arith.cmpi ne, %convert_element_type3A_315, %cond3A_316 : i32
      scf.if %cond3A_317 {
        %add3A_431 = arith.constant 2 : i32
        %add3A_432 = arith.addi %add3A_211, %add3A_431 : i32
        %mul3A_433 = arith.constant 800 : i32
        %mul3A_434 = arith.muli %add3A_432, %mul3A_433 : i32
        %add3A_435 = arith.addi %mul3A_2, %mul3A_434 : i32
        %run_scoped3A_436 = arith.constant 0 : i32
        "tpu.region"() ({
          %run_scoped3A_521 = tpu.sem_alloc : memref<!tpu.dma_semaphore, #tpu.memory_space<semaphore_mem>>
          %dma_start3A_522 = arith.constant 0 : i32
          %dma_start3A_523 = tpu.memref_slice %arg5[%run_scoped3A_436, %dma_start3A_522] : memref<2x800xi32, #tpu.memory_space<vmem>> -> memref<1x800xi32, #tpu.memory_space<vmem>>
          %dma_start3A_524 = tpu.memref_squeeze %dma_start3A_523 : memref<1x800xi32, #tpu.memory_space<vmem>> -> memref<800xi32, #tpu.memory_space<vmem>>
          %dma_start3A_525 = tpu.memref_slice %arg2[%add3A_435] : memref<819200xi32, #tpu.memory_space<hbm>> -> memref<800xi32, #tpu.memory_space<hbm>>
          %dma_start3A_526 = arith.constant 0 : i32
          %dma_start3A_527 = tpu.memref_slice %arg5[%run_scoped3A_436, %dma_start3A_526] : memref<2x800xi32, #tpu.memory_space<vmem>> -> memref<1x800xi32, #tpu.memory_space<vmem>>
          %dma_start3A_528 = tpu.memref_squeeze %dma_start3A_527 : memref<1x800xi32, #tpu.memory_space<vmem>> -> memref<800xi32, #tpu.memory_space<vmem>>
          %dma_start3A_529 = tpu.memref_slice %arg2[%add3A_435] : memref<819200xi32, #tpu.memory_space<hbm>> -> memref<800xi32, #tpu.memory_space<hbm>>
          tpu.enqueue_dma source(%dma_start3A_529 : memref<800xi32, #tpu.memory_space<hbm>>) target(%dma_start3A_528 : memref<800xi32, #tpu.memory_space<vmem>>) target_semaphore(%run_scoped3A_521 : memref<!tpu.dma_semaphore, #tpu.memory_space<semaphore_mem>>)
          %dma_wait3A_530 = arith.constant 0 : i32
          %dma_wait3A_531 = tpu.memref_slice %arg5[%run_scoped3A_436, %dma_wait3A_530] : memref<2x800xi32, #tpu.memory_space<vmem>> -> memref<1x800xi32, #tpu.memory_space<vmem>>
          %dma_wait3A_532 = tpu.memref_squeeze %dma_wait3A_531 : memref<1x800xi32, #tpu.memory_space<vmem>> -> memref<800xi32, #tpu.memory_space<vmem>>
          %dma_wait3A_533 = tpu.memref_slice %arg2[%add3A_435] : memref<819200xi32, #tpu.memory_space<hbm>> -> memref<800xi32, #tpu.memory_space<hbm>>
          %dma_wait3A_534 = arith.constant 0 : i32
          %dma_wait3A_535 = tpu.memref_slice %arg5[%run_scoped3A_436, %dma_wait3A_534] : memref<2x800xi32, #tpu.memory_space<vmem>> -> memref<1x800xi32, #tpu.memory_space<vmem>>
          %dma_wait3A_536 = tpu.memref_squeeze %dma_wait3A_535 : memref<1x800xi32, #tpu.memory_space<vmem>> -> memref<800xi32, #tpu.memory_space<vmem>>
          %dma_wait3A_537 = tpu.memref_slice %arg2[%add3A_435] : memref<819200xi32, #tpu.memory_space<hbm>> -> memref<800xi32, #tpu.memory_space<hbm>>
          tpu.wait_dma2 semaphore(%run_scoped3A_521 : memref<!tpu.dma_semaphore, #tpu.memory_space<semaphore_mem>>) src(%dma_wait3A_537 : memref<800xi32, #tpu.memory_space<hbm>>) dst(%dma_wait3A_536 : memref<800xi32, #tpu.memory_space<vmem>>)
          tpu.yield
        }) : () -> ()
        %dma_start3A_437 = arith.constant 0 : i32
        %dma_start3A_438 = arith.constant 0 : i32
        %dma_start3A_439 = arith.constant 0 : i32
        %dma_start3A_440 = arith.constant 0 : i32
        %dma_start3A_441 = tpu.memref_slice %arg6[%dma_start3A_438, %dma_start3A_439, %dma_start3A_440] : memref<2x800x32xf32, #tpu.memory_space<vmem>> -> memref<1x128x32xf32, #tpu.memory_space<vmem>>
        %dma_start3A_442 = tpu.memref_squeeze %dma_start3A_441 : memref<1x128x32xf32, #tpu.memory_space<vmem>> -> memref<128x32xf32, #tpu.memory_space<vmem>>
        %dma_start3A_443 = arith.constant 0 : i32
        %dma_start3A_444 = tpu.memref_slice %arg5[%dma_start3A_437, %dma_start3A_443] : memref<2x800xi32, #tpu.memory_space<vmem>> -> memref<1x128xi32, #tpu.memory_space<vmem>>
        %dma_start3A_445 = tpu.memref_squeeze %dma_start3A_444 : memref<1x128xi32, #tpu.memory_space<vmem>> -> memref<128xi32, #tpu.memory_space<vmem>>
        %dma_start3A_446 = arith.constant 0 : i32
        %dma_start3A_447 = arith.constant 0 : i32
        %dma_start3A_448 = tpu.memref_slice %arg3[%dma_start3A_446, %dma_start3A_447] : memref<1000000x32xf32, #tpu.memory_space<hbm>> -> memref<1000000x32xf32, #tpu.memory_space<hbm>>
        tpu.enqueue_indirect_dma source(%dma_start3A_448 : memref<1000000x32xf32, #tpu.memory_space<hbm>>) target(%dma_start3A_442 : memref<128x32xf32, #tpu.memory_space<vmem>>) offsets(%dma_start3A_445 : memref<128xi32, #tpu.memory_space<vmem>>) semaphore(%arg8 : memref<!tpu.dma_semaphore, #tpu.memory_space<semaphore_mem>>)
        %dma_start3A_449 = arith.constant 0 : i32
        %dma_start3A_450 = arith.constant 0 : i32
        %dma_start3A_451 = arith.constant 128 : i32
        %dma_start3A_452 = arith.constant 0 : i32
        %dma_start3A_453 = tpu.memref_slice %arg6[%dma_start3A_450, %dma_start3A_451, %dma_start3A_452] : memref<2x800x32xf32, #tpu.memory_space<vmem>> -> memref<1x128x32xf32, #tpu.memory_space<vmem>>
        %dma_start3A_454 = tpu.memref_squeeze %dma_start3A_453 : memref<1x128x32xf32, #tpu.memory_space<vmem>> -> memref<128x32xf32, #tpu.memory_space<vmem>>
        %dma_start3A_455 = arith.constant 128 : i32
        %dma_start3A_456 = tpu.memref_slice %arg5[%dma_start3A_449, %dma_start3A_455] : memref<2x800xi32, #tpu.memory_space<vmem>> -> memref<1x128xi32, #tpu.memory_space<vmem>>
        %dma_start3A_457 = tpu.memref_squeeze %dma_start3A_456 : memref<1x128xi32, #tpu.memory_space<vmem>> -> memref<128xi32, #tpu.memory_space<vmem>>
        %dma_start3A_458 = arith.constant 0 : i32
        %dma_start3A_459 = arith.constant 0 : i32
        %dma_start3A_460 = tpu.memref_slice %arg3[%dma_start3A_458, %dma_start3A_459] : memref<1000000x32xf32, #tpu.memory_space<hbm>> -> memref<1000000x32xf32, #tpu.memory_space<hbm>>
        tpu.enqueue_indirect_dma source(%dma_start3A_460 : memref<1000000x32xf32, #tpu.memory_space<hbm>>) target(%dma_start3A_454 : memref<128x32xf32, #tpu.memory_space<vmem>>) offsets(%dma_start3A_457 : memref<128xi32, #tpu.memory_space<vmem>>) semaphore(%arg8 : memref<!tpu.dma_semaphore, #tpu.memory_space<semaphore_mem>>)
        %dma_start3A_461 = arith.constant 0 : i32
        %dma_start3A_462 = arith.constant 0 : i32
        %dma_start3A_463 = arith.constant 256 : i32
        %dma_start3A_464 = arith.constant 0 : i32
        %dma_start3A_465 = tpu.memref_slice %arg6[%dma_start3A_462, %dma_start3A_463, %dma_start3A_464] : memref<2x800x32xf32, #tpu.memory_space<vmem>> -> memref<1x128x32xf32, #tpu.memory_space<vmem>>
        %dma_start3A_466 = tpu.memref_squeeze %dma_start3A_465 : memref<1x128x32xf32, #tpu.memory_space<vmem>> -> memref<128x32xf32, #tpu.memory_space<vmem>>
        %dma_start3A_467 = arith.constant 256 : i32
        %dma_start3A_468 = tpu.memref_slice %arg5[%dma_start3A_461, %dma_start3A_467] : memref<2x800xi32, #tpu.memory_space<vmem>> -> memref<1x128xi32, #tpu.memory_space<vmem>>
        %dma_start3A_469 = tpu.memref_squeeze %dma_start3A_468 : memref<1x128xi32, #tpu.memory_space<vmem>> -> memref<128xi32, #tpu.memory_space<vmem>>
        %dma_start3A_470 = arith.constant 0 : i32
        %dma_start3A_471 = arith.constant 0 : i32
        %dma_start3A_472 = tpu.memref_slice %arg3[%dma_start3A_470, %dma_start3A_471] : memref<1000000x32xf32, #tpu.memory_space<hbm>> -> memref<1000000x32xf32, #tpu.memory_space<hbm>>
        tpu.enqueue_indirect_dma source(%dma_start3A_472 : memref<1000000x32xf32, #tpu.memory_space<hbm>>) target(%dma_start3A_466 : memref<128x32xf32, #tpu.memory_space<vmem>>) offsets(%dma_start3A_469 : memref<128xi32, #tpu.memory_space<vmem>>) semaphore(%arg8 : memref<!tpu.dma_semaphore, #tpu.memory_space<semaphore_mem>>)
        %dma_start3A_473 = arith.constant 0 : i32
        %dma_start3A_474 = arith.constant 0 : i32
        %dma_start3A_475 = arith.constant 384 : i32
        %dma_start3A_476 = arith.constant 0 : i32
        %dma_start3A_477 = tpu.memref_slice %arg6[%dma_start3A_474, %dma_start3A_475, %dma_start3A_476] : memref<2x800x32xf32, #tpu.memory_space<vmem>> -> memref<1x128x32xf32, #tpu.memory_space<vmem>>
        %dma_start3A_478 = tpu.memref_squeeze %dma_start3A_477 : memref<1x128x32xf32, #tpu.memory_space<vmem>> -> memref<128x32xf32, #tpu.memory_space<vmem>>
        %dma_start3A_479 = arith.constant 384 : i32
        %dma_start3A_480 = tpu.memref_slice %arg5[%dma_start3A_473, %dma_start3A_479] : memref<2x800xi32, #tpu.memory_space<vmem>> -> memref<1x128xi32, #tpu.memory_space<vmem>>
        %dma_start3A_481 = tpu.memref_squeeze %dma_start3A_480 : memref<1x128xi32, #tpu.memory_space<vmem>> -> memref<128xi32, #tpu.memory_space<vmem>>
        %dma_start3A_482 = arith.constant 0 : i32
        %dma_start3A_483 = arith.constant 0 : i32
        %dma_start3A_484 = tpu.memref_slice %arg3[%dma_start3A_482, %dma_start3A_483] : memref<1000000x32xf32, #tpu.memory_space<hbm>> -> memref<1000000x32xf32, #tpu.memory_space<hbm>>
        tpu.enqueue_indirect_dma source(%dma_start3A_484 : memref<1000000x32xf32, #tpu.memory_space<hbm>>) target(%dma_start3A_478 : memref<128x32xf32, #tpu.memory_space<vmem>>) offsets(%dma_start3A_481 : memref<128xi32, #tpu.memory_space<vmem>>) semaphore(%arg8 : memref<!tpu.dma_semaphore, #tpu.memory_space<semaphore_mem>>)
        %dma_start3A_485 = arith.constant 0 : i32
        %dma_start3A_486 = arith.constant 0 : i32
        %dma_start3A_487 = arith.constant 512 : i32
        %dma_start3A_488 = arith.constant 0 : i32
        %dma_start3A_489 = tpu.memref_slice %arg6[%dma_start3A_486, %dma_start3A_487, %dma_start3A_488] : memref<2x800x32xf32, #tpu.memory_space<vmem>> -> memref<1x128x32xf32, #tpu.memory_space<vmem>>
        %dma_start3A_490 = tpu.memref_squeeze %dma_start3A_489 : memref<1x128x32xf32, #tpu.memory_space<vmem>> -> memref<128x32xf32, #tpu.memory_space<vmem>>
        %dma_start3A_491 = arith.constant 512 : i32
        %dma_start3A_492 = tpu.memref_slice %arg5[%dma_start3A_485, %dma_start3A_491] : memref<2x800xi32, #tpu.memory_space<vmem>> -> memref<1x128xi32, #tpu.memory_space<vmem>>
        %dma_start3A_493 = tpu.memref_squeeze %dma_start3A_492 : memref<1x128xi32, #tpu.memory_space<vmem>> -> memref<128xi32, #tpu.memory_space<vmem>>
        %dma_start3A_494 = arith.constant 0 : i32
        %dma_start3A_495 = arith.constant 0 : i32
        %dma_start3A_496 = tpu.memref_slice %arg3[%dma_start3A_494, %dma_start3A_495] : memref<1000000x32xf32, #tpu.memory_space<hbm>> -> memref<1000000x32xf32, #tpu.memory_space<hbm>>
        tpu.enqueue_indirect_dma source(%dma_start3A_496 : memref<1000000x32xf32, #tpu.memory_space<hbm>>) target(%dma_start3A_490 : memref<128x32xf32, #tpu.memory_space<vmem>>) offsets(%dma_start3A_493 : memref<128xi32, #tpu.memory_space<vmem>>) semaphore(%arg8 : memref<!tpu.dma_semaphore, #tpu.memory_space<semaphore_mem>>)
        %dma_start3A_497 = arith.constant 0 : i32
        %dma_start3A_498 = arith.constant 0 : i32
        %dma_start3A_499 = arith.constant 640 : i32
        %dma_start3A_500 = arith.constant 0 : i32
        %dma_start3A_501 = tpu.memref_slice %arg6[%dma_start3A_498, %dma_start3A_499, %dma_start3A_500] : memref<2x800x32xf32, #tpu.memory_space<vmem>> -> memref<1x128x32xf32, #tpu.memory_space<vmem>>
        %dma_start3A_502 = tpu.memref_squeeze %dma_start3A_501 : memref<1x128x32xf32, #tpu.memory_space<vmem>> -> memref<128x32xf32, #tpu.memory_space<vmem>>
        %dma_start3A_503 = arith.constant 640 : i32
        %dma_start3A_504 = tpu.memref_slice %arg5[%dma_start3A_497, %dma_start3A_503] : memref<2x800xi32, #tpu.memory_space<vmem>> -> memref<1x128xi32, #tpu.memory_space<vmem>>
        %dma_start3A_505 = tpu.memref_squeeze %dma_start3A_504 : memref<1x128xi32, #tpu.memory_space<vmem>> -> memref<128xi32, #tpu.memory_space<vmem>>
        %dma_start3A_506 = arith.constant 0 : i32
        %dma_start3A_507 = arith.constant 0 : i32
        %dma_start3A_508 = tpu.memref_slice %arg3[%dma_start3A_506, %dma_start3A_507] : memref<1000000x32xf32, #tpu.memory_space<hbm>> -> memref<1000000x32xf32, #tpu.memory_space<hbm>>
        tpu.enqueue_indirect_dma source(%dma_start3A_508 : memref<1000000x32xf32, #tpu.memory_space<hbm>>) target(%dma_start3A_502 : memref<128x32xf32, #tpu.memory_space<vmem>>) offsets(%dma_start3A_505 : memref<128xi32, #tpu.memory_space<vmem>>) semaphore(%arg8 : memref<!tpu.dma_semaphore, #tpu.memory_space<semaphore_mem>>)
        %dma_start3A_509 = arith.constant 0 : i32
        %dma_start3A_510 = arith.constant 0 : i32
        %dma_start3A_511 = arith.constant 768 : i32
        %dma_start3A_512 = arith.constant 0 : i32
        %dma_start3A_513 = tpu.memref_slice %arg6[%dma_start3A_510, %dma_start3A_511, %dma_start3A_512] : memref<2x800x32xf32, #tpu.memory_space<vmem>> -> memref<1x32x32xf32, #tpu.memory_space<vmem>>
        %dma_start3A_514 = tpu.memref_squeeze %dma_start3A_513 : memref<1x32x32xf32, #tpu.memory_space<vmem>> -> memref<32x32xf32, #tpu.memory_space<vmem>>
        %dma_start3A_515 = arith.constant 768 : i32
        %dma_start3A_516 = tpu.memref_slice %arg5[%dma_start3A_509, %dma_start3A_515] : memref<2x800xi32, #tpu.memory_space<vmem>> -> memref<1x32xi32, #tpu.memory_space<vmem>>
        %dma_start3A_517 = tpu.memref_squeeze %dma_start3A_516 : memref<1x32xi32, #tpu.memory_space<vmem>> -> memref<32xi32, #tpu.memory_space<vmem>>
        %dma_start3A_518 = arith.constant 0 : i32
        %dma_start3A_519 = arith.constant 0 : i32
        %dma_start3A_520 = tpu.memref_slice %arg3[%dma_start3A_518, %dma_start3A_519] : memref<1000000x32xf32, #tpu.memory_space<hbm>> -> memref<1000000x32xf32, #tpu.memory_space<hbm>>
        tpu.enqueue_indirect_dma source(%dma_start3A_520 : memref<1000000x32xf32, #tpu.memory_space<hbm>>) target(%dma_start3A_514 : memref<32x32xf32, #tpu.memory_space<vmem>>) offsets(%dma_start3A_517 : memref<32xi32, #tpu.memory_space<vmem>>) semaphore(%arg8 : memref<!tpu.dma_semaphore, #tpu.memory_space<semaphore_mem>>)
      } else {
      }
      %add3A_318 = arith.constant 1 : i32
      %add3A_319 = arith.addi %add3A_209, %add3A_318 : i32
      %dma_wait3A_320 = arith.constant 1 : i32
      %dma_wait3A_321 = arith.constant 1 : i32
      %dma_wait3A_322 = arith.constant 0 : i32
      %dma_wait3A_323 = arith.constant 0 : i32
      %dma_wait3A_324 = tpu.memref_slice %arg6[%dma_wait3A_321, %dma_wait3A_322, %dma_wait3A_323] : memref<2x800x32xf32, #tpu.memory_space<vmem>> -> memref<1x128x32xf32, #tpu.memory_space<vmem>>
      %dma_wait3A_325 = tpu.memref_squeeze %dma_wait3A_324 : memref<1x128x32xf32, #tpu.memory_space<vmem>> -> memref<128x32xf32, #tpu.memory_space<vmem>>
      %dma_wait3A_326 = arith.constant 0 : i32
      %dma_wait3A_327 = tpu.memref_slice %arg5[%dma_wait3A_320, %dma_wait3A_326] : memref<2x800xi32, #tpu.memory_space<vmem>> -> memref<1x128xi32, #tpu.memory_space<vmem>>
      %dma_wait3A_328 = tpu.memref_squeeze %dma_wait3A_327 : memref<1x128xi32, #tpu.memory_space<vmem>> -> memref<128xi32, #tpu.memory_space<vmem>>
      %dma_wait3A_329 = arith.constant 0 : i32
      %dma_wait3A_330 = arith.constant 0 : i32
      %dma_wait3A_331 = tpu.memref_slice %arg3[%dma_wait3A_329, %dma_wait3A_330] : memref<1000000x32xf32, #tpu.memory_space<hbm>> -> memref<1000000x32xf32, #tpu.memory_space<hbm>>
      tpu.wait_indirect_dma semaphore(%arg9 : memref<!tpu.dma_semaphore, #tpu.memory_space<semaphore_mem>>) src(%dma_wait3A_331 : memref<1000000x32xf32, #tpu.memory_space<hbm>>) dst(%dma_wait3A_325 : memref<128x32xf32, #tpu.memory_space<vmem>>)
      %dma_wait3A_332 = arith.constant 1 : i32
      %dma_wait3A_333 = arith.constant 1 : i32
      %dma_wait3A_334 = arith.constant 128 : i32
      %dma_wait3A_335 = arith.constant 0 : i32
      %dma_wait3A_336 = tpu.memref_slice %arg6[%dma_wait3A_333, %dma_wait3A_334, %dma_wait3A_335] : memref<2x800x32xf32, #tpu.memory_space<vmem>> -> memref<1x128x32xf32, #tpu.memory_space<vmem>>
      %dma_wait3A_337 = tpu.memref_squeeze %dma_wait3A_336 : memref<1x128x32xf32, #tpu.memory_space<vmem>> -> memref<128x32xf32, #tpu.memory_space<vmem>>
      %dma_wait3A_338 = arith.constant 128 : i32
      %dma_wait3A_339 = tpu.memref_slice %arg5[%dma_wait3A_332, %dma_wait3A_338] : memref<2x800xi32, #tpu.memory_space<vmem>> -> memref<1x128xi32, #tpu.memory_space<vmem>>
      %dma_wait3A_340 = tpu.memref_squeeze %dma_wait3A_339 : memref<1x128xi32, #tpu.memory_space<vmem>> -> memref<128xi32, #tpu.memory_space<vmem>>
      %dma_wait3A_341 = arith.constant 0 : i32
      %dma_wait3A_342 = arith.constant 0 : i32
      %dma_wait3A_343 = tpu.memref_slice %arg3[%dma_wait3A_341, %dma_wait3A_342] : memref<1000000x32xf32, #tpu.memory_space<hbm>> -> memref<1000000x32xf32, #tpu.memory_space<hbm>>
      tpu.wait_indirect_dma semaphore(%arg9 : memref<!tpu.dma_semaphore, #tpu.memory_space<semaphore_mem>>) src(%dma_wait3A_343 : memref<1000000x32xf32, #tpu.memory_space<hbm>>) dst(%dma_wait3A_337 : memref<128x32xf32, #tpu.memory_space<vmem>>)
      %dma_wait3A_344 = arith.constant 1 : i32
      %dma_wait3A_345 = arith.constant 1 : i32
      %dma_wait3A_346 = arith.constant 256 : i32
      %dma_wait3A_347 = arith.constant 0 : i32
      %dma_wait3A_348 = tpu.memref_slice %arg6[%dma_wait3A_345, %dma_wait3A_346, %dma_wait3A_347] : memref<2x800x32xf32, #tpu.memory_space<vmem>> -> memref<1x128x32xf32, #tpu.memory_space<vmem>>
      %dma_wait3A_349 = tpu.memref_squeeze %dma_wait3A_348 : memref<1x128x32xf32, #tpu.memory_space<vmem>> -> memref<128x32xf32, #tpu.memory_space<vmem>>
      %dma_wait3A_350 = arith.constant 256 : i32
      %dma_wait3A_351 = tpu.memref_slice %arg5[%dma_wait3A_344, %dma_wait3A_350] : memref<2x800xi32, #tpu.memory_space<vmem>> -> memref<1x128xi32, #tpu.memory_space<vmem>>
      %dma_wait3A_352 = tpu.memref_squeeze %dma_wait3A_351 : memref<1x128xi32, #tpu.memory_space<vmem>> -> memref<128xi32, #tpu.memory_space<vmem>>
      %dma_wait3A_353 = arith.constant 0 : i32
      %dma_wait3A_354 = arith.constant 0 : i32
      %dma_wait3A_355 = tpu.memref_slice %arg3[%dma_wait3A_353, %dma_wait3A_354] : memref<1000000x32xf32, #tpu.memory_space<hbm>> -> memref<1000000x32xf32, #tpu.memory_space<hbm>>
      tpu.wait_indirect_dma semaphore(%arg9 : memref<!tpu.dma_semaphore, #tpu.memory_space<semaphore_mem>>) src(%dma_wait3A_355 : memref<1000000x32xf32, #tpu.memory_space<hbm>>) dst(%dma_wait3A_349 : memref<128x32xf32, #tpu.memory_space<vmem>>)
      %dma_wait3A_356 = arith.constant 1 : i32
      %dma_wait3A_357 = arith.constant 1 : i32
      %dma_wait3A_358 = arith.constant 384 : i32
      %dma_wait3A_359 = arith.constant 0 : i32
      %dma_wait3A_360 = tpu.memref_slice %arg6[%dma_wait3A_357, %dma_wait3A_358, %dma_wait3A_359] : memref<2x800x32xf32, #tpu.memory_space<vmem>> -> memref<1x128x32xf32, #tpu.memory_space<vmem>>
      %dma_wait3A_361 = tpu.memref_squeeze %dma_wait3A_360 : memref<1x128x32xf32, #tpu.memory_space<vmem>> -> memref<128x32xf32, #tpu.memory_space<vmem>>
      %dma_wait3A_362 = arith.constant 384 : i32
      %dma_wait3A_363 = tpu.memref_slice %arg5[%dma_wait3A_356, %dma_wait3A_362] : memref<2x800xi32, #tpu.memory_space<vmem>> -> memref<1x128xi32, #tpu.memory_space<vmem>>
      %dma_wait3A_364 = tpu.memref_squeeze %dma_wait3A_363 : memref<1x128xi32, #tpu.memory_space<vmem>> -> memref<128xi32, #tpu.memory_space<vmem>>
      %dma_wait3A_365 = arith.constant 0 : i32
      %dma_wait3A_366 = arith.constant 0 : i32
      %dma_wait3A_367 = tpu.memref_slice %arg3[%dma_wait3A_365, %dma_wait3A_366] : memref<1000000x32xf32, #tpu.memory_space<hbm>> -> memref<1000000x32xf32, #tpu.memory_space<hbm>>
      tpu.wait_indirect_dma semaphore(%arg9 : memref<!tpu.dma_semaphore, #tpu.memory_space<semaphore_mem>>) src(%dma_wait3A_367 : memref<1000000x32xf32, #tpu.memory_space<hbm>>) dst(%dma_wait3A_361 : memref<128x32xf32, #tpu.memory_space<vmem>>)
      %dma_wait3A_368 = arith.constant 1 : i32
      %dma_wait3A_369 = arith.constant 1 : i32
      %dma_wait3A_370 = arith.constant 512 : i32
      %dma_wait3A_371 = arith.constant 0 : i32
      %dma_wait3A_372 = tpu.memref_slice %arg6[%dma_wait3A_369, %dma_wait3A_370, %dma_wait3A_371] : memref<2x800x32xf32, #tpu.memory_space<vmem>> -> memref<1x128x32xf32, #tpu.memory_space<vmem>>
      %dma_wait3A_373 = tpu.memref_squeeze %dma_wait3A_372 : memref<1x128x32xf32, #tpu.memory_space<vmem>> -> memref<128x32xf32, #tpu.memory_space<vmem>>
      %dma_wait3A_374 = arith.constant 512 : i32
      %dma_wait3A_375 = tpu.memref_slice %arg5[%dma_wait3A_368, %dma_wait3A_374] : memref<2x800xi32, #tpu.memory_space<vmem>> -> memref<1x128xi32, #tpu.memory_space<vmem>>
      %dma_wait3A_376 = tpu.memref_squeeze %dma_wait3A_375 : memref<1x128xi32, #tpu.memory_space<vmem>> -> memref<128xi32, #tpu.memory_space<vmem>>
      %dma_wait3A_377 = arith.constant 0 : i32
      %dma_wait3A_378 = arith.constant 0 : i32
      %dma_wait3A_379 = tpu.memref_slice %arg3[%dma_wait3A_377, %dma_wait3A_378] : memref<1000000x32xf32, #tpu.memory_space<hbm>> -> memref<1000000x32xf32, #tpu.memory_space<hbm>>
      tpu.wait_indirect_dma semaphore(%arg9 : memref<!tpu.dma_semaphore, #tpu.memory_space<semaphore_mem>>) src(%dma_wait3A_379 : memref<1000000x32xf32, #tpu.memory_space<hbm>>) dst(%dma_wait3A_373 : memref<128x32xf32, #tpu.memory_space<vmem>>)
      %dma_wait3A_380 = arith.constant 1 : i32
      %dma_wait3A_381 = arith.constant 1 : i32
      %dma_wait3A_382 = arith.constant 640 : i32
      %dma_wait3A_383 = arith.constant 0 : i32
      %dma_wait3A_384 = tpu.memref_slice %arg6[%dma_wait3A_381, %dma_wait3A_382, %dma_wait3A_383] : memref<2x800x32xf32, #tpu.memory_space<vmem>> -> memref<1x128x32xf32, #tpu.memory_space<vmem>>
      %dma_wait3A_385 = tpu.memref_squeeze %dma_wait3A_384 : memref<1x128x32xf32, #tpu.memory_space<vmem>> -> memref<128x32xf32, #tpu.memory_space<vmem>>
      %dma_wait3A_386 = arith.constant 640 : i32
      %dma_wait3A_387 = tpu.memref_slice %arg5[%dma_wait3A_380, %dma_wait3A_386] : memref<2x800xi32, #tpu.memory_space<vmem>> -> memref<1x128xi32, #tpu.memory_space<vmem>>
      %dma_wait3A_388 = tpu.memref_squeeze %dma_wait3A_387 : memref<1x128xi32, #tpu.memory_space<vmem>> -> memref<128xi32, #tpu.memory_space<vmem>>
      %dma_wait3A_389 = arith.constant 0 : i32
      %dma_wait3A_390 = arith.constant 0 : i32
      %dma_wait3A_391 = tpu.memref_slice %arg3[%dma_wait3A_389, %dma_wait3A_390] : memref<1000000x32xf32, #tpu.memory_space<hbm>> -> memref<1000000x32xf32, #tpu.memory_space<hbm>>
      tpu.wait_indirect_dma semaphore(%arg9 : memref<!tpu.dma_semaphore, #tpu.memory_space<semaphore_mem>>) src(%dma_wait3A_391 : memref<1000000x32xf32, #tpu.memory_space<hbm>>) dst(%dma_wait3A_385 : memref<128x32xf32, #tpu.memory_space<vmem>>)
      %dma_wait3A_392 = arith.constant 1 : i32
      %dma_wait3A_393 = arith.constant 1 : i32
      %dma_wait3A_394 = arith.constant 768 : i32
      %dma_wait3A_395 = arith.constant 0 : i32
      %dma_wait3A_396 = tpu.memref_slice %arg6[%dma_wait3A_393, %dma_wait3A_394, %dma_wait3A_395] : memref<2x800x32xf32, #tpu.memory_space<vmem>> -> memref<1x32x32xf32, #tpu.memory_space<vmem>>
      %dma_wait3A_397 = tpu.memref_squeeze %dma_wait3A_396 : memref<1x32x32xf32, #tpu.memory_space<vmem>> -> memref<32x32xf32, #tpu.memory_space<vmem>>
      %dma_wait3A_398 = arith.constant 768 : i32
      %dma_wait3A_399 = tpu.memref_slice %arg5[%dma_wait3A_392, %dma_wait3A_398] : memref<2x800xi32, #tpu.memory_space<vmem>> -> memref<1x32xi32, #tpu.memory_space<vmem>>
      %dma_wait3A_400 = tpu.memref_squeeze %dma_wait3A_399 : memref<1x32xi32, #tpu.memory_space<vmem>> -> memref<32xi32, #tpu.memory_space<vmem>>
      %dma_wait3A_401 = arith.constant 0 : i32
      %dma_wait3A_402 = arith.constant 0 : i32
      %dma_wait3A_403 = tpu.memref_slice %arg3[%dma_wait3A_401, %dma_wait3A_402] : memref<1000000x32xf32, #tpu.memory_space<hbm>> -> memref<1000000x32xf32, #tpu.memory_space<hbm>>
      tpu.wait_indirect_dma semaphore(%arg9 : memref<!tpu.dma_semaphore, #tpu.memory_space<semaphore_mem>>) src(%dma_wait3A_403 : memref<1000000x32xf32, #tpu.memory_space<hbm>>) dst(%dma_wait3A_397 : memref<32x32xf32, #tpu.memory_space<vmem>>)
      %ge3A_404 = arith.constant 2 : i32
      %ge3A_405 = arith.cmpi sge, %add3A_209, %ge3A_404 : i32
      %convert_element_type3A_406 = arith.extui %ge3A_405 : i1 to i32
      %cond3A_407 = arith.constant 0 : i32
      %cond3A_408 = arith.cmpi ne, %convert_element_type3A_406, %cond3A_407 : i32
      scf.if %cond3A_408 {
        %mul3A_431 = arith.constant 25600 : i32
        %mul3A_432 = arith.muli %add3A_319, %mul3A_431 : i32
        %add3A_433 = arith.addi %mul3A_4, %mul3A_432 : i32
        %dma_wait3A_434 = arith.constant 1 : i32
        %dma_wait3A_435 = arith.constant 0 : i32
        %dma_wait3A_436 = tpu.memref_slice %arg7[%dma_wait3A_434, %dma_wait3A_435] : memref<2x25600xf32, #tpu.memory_space<vmem>> -> memref<1x25600xf32, #tpu.memory_space<vmem>>
        %dma_wait3A_437 = tpu.memref_squeeze %dma_wait3A_436 : memref<1x25600xf32, #tpu.memory_space<vmem>> -> memref<25600xf32, #tpu.memory_space<vmem>>
        %dma_wait3A_438 = tpu.memref_slice %arg4[%add3A_433] : memref<26214400xf32, #tpu.memory_space<hbm>> -> memref<25600xf32, #tpu.memory_space<hbm>>
        %dma_wait3A_439 = tpu.memref_slice %arg4[%add3A_433] : memref<26214400xf32, #tpu.memory_space<hbm>> -> memref<25600xf32, #tpu.memory_space<hbm>>
        %dma_wait3A_440 = arith.constant 0 : i32
        %dma_wait3A_441 = tpu.memref_slice %arg7[%dma_wait3A_434, %dma_wait3A_440] : memref<2x25600xf32, #tpu.memory_space<vmem>> -> memref<1x25600xf32, #tpu.memory_space<vmem>>
        %dma_wait3A_442 = tpu.memref_squeeze %dma_wait3A_441 : memref<1x25600xf32, #tpu.memory_space<vmem>> -> memref<25600xf32, #tpu.memory_space<vmem>>
        tpu.wait_dma2 semaphore(%arg11 : memref<!tpu.dma_semaphore, #tpu.memory_space<semaphore_mem>>) src(%dma_wait3A_442 : memref<25600xf32, #tpu.memory_space<vmem>>) dst(%dma_wait3A_439 : memref<25600xf32, #tpu.memory_space<hbm>>)
      } else {
      }
      %parallel_loop3A_409 = arith.constant 0 : i32
      %parallel_loop3A_410 = arith.constant 200 : i32
      %parallel_loop3A_411 = arith.constant 1 : i32
      scf.for %parallel_loop3A_431 = %parallel_loop3A_409 to %parallel_loop3A_410 step %parallel_loop3A_411  : i32 {
        %parallel_loop3A_432 = vector.broadcast %parallel_loop3A_431 : i32 to vector<16xi32>
        %parallel_loop3A_433 = arith.addi %mul3A_7, %parallel_loop3A_432 : vector<16xi32>
        %parallel_loop3A_434 = arith.constant 0 : i32
        %parallel_loop3A_435 = arith.addi %parallel_loop3A_434, %parallel_loop3A_431 : i32
        %parallel_loop3A_436 = arith.constant 1 : i32
        %parallel_loop3A_437 = arith.index_cast %parallel_loop3A_436 : i32 to index
        %parallel_loop3A_438 = arith.index_cast %parallel_loop3A_435 : i32 to index
        %parallel_loop3A_439 = arith.constant 0 : index
        %parallel_loop3A_440 = tpu.vector_load %arg6[%parallel_loop3A_437, %parallel_loop3A_438, %parallel_loop3A_439] {strides = array<i32>} : memref<2x800x32xf32, #tpu.memory_space<vmem>>, vector<16xf32>,
        %parallel_loop3A_441 = arith.constant 0 : i32
        %parallel_loop3A_442 = arith.addi %parallel_loop3A_441, %parallel_loop3A_431 : i32
        %parallel_loop3A_443 = arith.constant 1 : i32
        %parallel_loop3A_444 = arith.index_cast %parallel_loop3A_443 : i32 to index
        %parallel_loop3A_445 = arith.index_cast %parallel_loop3A_442 : i32 to index
        %parallel_loop3A_446 = arith.constant 16 : index
        %parallel_loop3A_447 = tpu.vector_load %arg6[%parallel_loop3A_444, %parallel_loop3A_445, %parallel_loop3A_446] {strides = array<i32>} : memref<2x800x32xf32, #tpu.memory_space<vmem>>, vector<16xf32>,
        %parallel_loop3A_448 = arith.constant 0 : i32
        %parallel_loop3A_449 = vector.broadcast %parallel_loop3A_448 : i32 to vector<16xi32>
        %parallel_loop3A_450 = arith.addi %parallel_loop3A_433, %parallel_loop3A_449 : vector<16xi32>
        %parallel_loop3A_451 = arith.constant 1 : i32
        %parallel_loop3A_452 = arith.constant 0 : i32
        %parallel_loop3A_453 = tpu.memref_slice %arg7[%parallel_loop3A_451, %parallel_loop3A_452] : memref<2x25600xf32, #tpu.memory_space<vmem>> -> memref<1x25600xf32, #tpu.memory_space<vmem>>
        %parallel_loop3A_454 = tpu.memref_squeeze %parallel_loop3A_453 : memref<1x25600xf32, #tpu.memory_space<vmem>> -> memref<25600xf32, #tpu.memory_space<vmem>>
        tpu.vector_store_idx %parallel_loop3A_454[%parallel_loop3A_450], %parallel_loop3A_440 : memref<25600xf32, #tpu.memory_space<vmem>>[vector<16xi32>], vector<16xf32>,
        %parallel_loop3A_455 = arith.constant 0 : i32
        %parallel_loop3A_456 = vector.broadcast %parallel_loop3A_455 : i32 to vector<16xi32>
        %parallel_loop3A_457 = arith.addi %parallel_loop3A_433, %parallel_loop3A_456 : vector<16xi32>
        %parallel_loop3A_458 = arith.constant 3200 : i32
        %parallel_loop3A_459 = vector.broadcast %parallel_loop3A_458 : i32 to vector<16xi32>
        %parallel_loop3A_460 = arith.addi %parallel_loop3A_457, %parallel_loop3A_459 : vector<16xi32>
        %parallel_loop3A_461 = arith.constant 1 : i32
        %parallel_loop3A_462 = arith.constant 0 : i32
        %parallel_loop3A_463 = tpu.memref_slice %arg7[%parallel_loop3A_461, %parallel_loop3A_462] : memref<2x25600xf32, #tpu.memory_space<vmem>> -> memref<1x25600xf32, #tpu.memory_space<vmem>>
        %parallel_loop3A_464 = tpu.memref_squeeze %parallel_loop3A_463 : memref<1x25600xf32, #tpu.memory_space<vmem>> -> memref<25600xf32, #tpu.memory_space<vmem>>
        tpu.vector_store_idx %parallel_loop3A_464[%parallel_loop3A_460], %parallel_loop3A_447 : memref<25600xf32, #tpu.memory_space<vmem>>[vector<16xi32>], vector<16xf32>,
        %parallel_loop3A_465 = arith.constant 200 : i32
        %parallel_loop3A_466 = arith.addi %parallel_loop3A_465, %parallel_loop3A_431 : i32
        %parallel_loop3A_467 = arith.constant 1 : i32
        %parallel_loop3A_468 = arith.index_cast %parallel_loop3A_467 : i32 to index
        %parallel_loop3A_469 = arith.index_cast %parallel_loop3A_466 : i32 to index
        %parallel_loop3A_470 = arith.constant 0 : index
        %parallel_loop3A_471 = tpu.vector_load %arg6[%parallel_loop3A_468, %parallel_loop3A_469, %parallel_loop3A_470] {strides = array<i32>} : memref<2x800x32xf32, #tpu.memory_space<vmem>>, vector<16xf32>,
        %parallel_loop3A_472 = arith.constant 200 : i32
        %parallel_loop3A_473 = arith.addi %parallel_loop3A_472, %parallel_loop3A_431 : i32
        %parallel_loop3A_474 = arith.constant 1 : i32
        %parallel_loop3A_475 = arith.index_cast %parallel_loop3A_474 : i32 to index
        %parallel_loop3A_476 = arith.index_cast %parallel_loop3A_473 : i32 to index
        %parallel_loop3A_477 = arith.constant 16 : index
        %parallel_loop3A_478 = tpu.vector_load %arg6[%parallel_loop3A_475, %parallel_loop3A_476, %parallel_loop3A_477] {strides = array<i32>} : memref<2x800x32xf32, #tpu.memory_space<vmem>>, vector<16xf32>,
        %parallel_loop3A_479 = arith.constant 6400 : i32
        %parallel_loop3A_480 = vector.broadcast %parallel_loop3A_479 : i32 to vector<16xi32>
        %parallel_loop3A_481 = arith.addi %parallel_loop3A_433, %parallel_loop3A_480 : vector<16xi32>
        %parallel_loop3A_482 = arith.constant 1 : i32
        %parallel_loop3A_483 = arith.constant 0 : i32
        %parallel_loop3A_484 = tpu.memref_slice %arg7[%parallel_loop3A_482, %parallel_loop3A_483] : memref<2x25600xf32, #tpu.memory_space<vmem>> -> memref<1x25600xf32, #tpu.memory_space<vmem>>
        %parallel_loop3A_485 = tpu.memref_squeeze %parallel_loop3A_484 : memref<1x25600xf32, #tpu.memory_space<vmem>> -> memref<25600xf32, #tpu.memory_space<vmem>>
        tpu.vector_store_idx %parallel_loop3A_485[%parallel_loop3A_481], %parallel_loop3A_471 : memref<25600xf32, #tpu.memory_space<vmem>>[vector<16xi32>], vector<16xf32>,
        %parallel_loop3A_486 = arith.constant 6400 : i32
        %parallel_loop3A_487 = vector.broadcast %parallel_loop3A_486 : i32 to vector<16xi32>
        %parallel_loop3A_488 = arith.addi %parallel_loop3A_433, %parallel_loop3A_487 : vector<16xi32>
        %parallel_loop3A_489 = arith.constant 3200 : i32
        %parallel_loop3A_490 = vector.broadcast %parallel_loop3A_489 : i32 to vector<16xi32>
        %parallel_loop3A_491 = arith.addi %parallel_loop3A_488, %parallel_loop3A_490 : vector<16xi32>
        %parallel_loop3A_492 = arith.constant 1 : i32
        %parallel_loop3A_493 = arith.constant 0 : i32
        %parallel_loop3A_494 = tpu.memref_slice %arg7[%parallel_loop3A_492, %parallel_loop3A_493] : memref<2x25600xf32, #tpu.memory_space<vmem>> -> memref<1x25600xf32, #tpu.memory_space<vmem>>
        %parallel_loop3A_495 = tpu.memref_squeeze %parallel_loop3A_494 : memref<1x25600xf32, #tpu.memory_space<vmem>> -> memref<25600xf32, #tpu.memory_space<vmem>>
        tpu.vector_store_idx %parallel_loop3A_495[%parallel_loop3A_491], %parallel_loop3A_478 : memref<25600xf32, #tpu.memory_space<vmem>>[vector<16xi32>], vector<16xf32>,
        %parallel_loop3A_496 = arith.constant 400 : i32
        %parallel_loop3A_497 = arith.addi %parallel_loop3A_496, %parallel_loop3A_431 : i32
        %parallel_loop3A_498 = arith.constant 1 : i32
        %parallel_loop3A_499 = arith.index_cast %parallel_loop3A_498 : i32 to index
        %parallel_loop3A_500 = arith.index_cast %parallel_loop3A_497 : i32 to index
        %parallel_loop3A_501 = arith.constant 0 : index
        %parallel_loop3A_502 = tpu.vector_load %arg6[%parallel_loop3A_499, %parallel_loop3A_500, %parallel_loop3A_501] {strides = array<i32>} : memref<2x800x32xf32, #tpu.memory_space<vmem>>, vector<16xf32>,
        %parallel_loop3A_503 = arith.constant 400 : i32
        %parallel_loop3A_504 = arith.addi %parallel_loop3A_503, %parallel_loop3A_431 : i32
        %parallel_loop3A_505 = arith.constant 1 : i32
        %parallel_loop3A_506 = arith.index_cast %parallel_loop3A_505 : i32 to index
        %parallel_loop3A_507 = arith.index_cast %parallel_loop3A_504 : i32 to index
        %parallel_loop3A_508 = arith.constant 16 : index
        %parallel_loop3A_509 = tpu.vector_load %arg6[%parallel_loop3A_506, %parallel_loop3A_507, %parallel_loop3A_508] {strides = array<i32>} : memref<2x800x32xf32, #tpu.memory_space<vmem>>, vector<16xf32>,
        %parallel_loop3A_510 = arith.constant 12800 : i32
        %parallel_loop3A_511 = vector.broadcast %parallel_loop3A_510 : i32 to vector<16xi32>
        %parallel_loop3A_512 = arith.addi %parallel_loop3A_433, %parallel_loop3A_511 : vector<16xi32>
        %parallel_loop3A_513 = arith.constant 1 : i32
        %parallel_loop3A_514 = arith.constant 0 : i32
        %parallel_loop3A_515 = tpu.memref_slice %arg7[%parallel_loop3A_513, %parallel_loop3A_514] : memref<2x25600xf32, #tpu.memory_space<vmem>> -> memref<1x25600xf32, #tpu.memory_space<vmem>>
        %parallel_loop3A_516 = tpu.memref_squeeze %parallel_loop3A_515 : memref<1x25600xf32, #tpu.memory_space<vmem>> -> memref<25600xf32, #tpu.memory_space<vmem>>
        tpu.vector_store_idx %parallel_loop3A_516[%parallel_loop3A_512], %parallel_loop3A_502 : memref<25600xf32, #tpu.memory_space<vmem>>[vector<16xi32>], vector<16xf32>,
        %parallel_loop3A_517 = arith.constant 12800 : i32
        %parallel_loop3A_518 = vector.broadcast %parallel_loop3A_517 : i32 to vector<16xi32>
        %parallel_loop3A_519 = arith.addi %parallel_loop3A_433, %parallel_loop3A_518 : vector<16xi32>
        %parallel_loop3A_520 = arith.constant 3200 : i32
        %parallel_loop3A_521 = vector.broadcast %parallel_loop3A_520 : i32 to vector<16xi32>
        %parallel_loop3A_522 = arith.addi %parallel_loop3A_519, %parallel_loop3A_521 : vector<16xi32>
        %parallel_loop3A_523 = arith.constant 1 : i32
        %parallel_loop3A_524 = arith.constant 0 : i32
        %parallel_loop3A_525 = tpu.memref_slice %arg7[%parallel_loop3A_523, %parallel_loop3A_524] : memref<2x25600xf32, #tpu.memory_space<vmem>> -> memref<1x25600xf32, #tpu.memory_space<vmem>>
        %parallel_loop3A_526 = tpu.memref_squeeze %parallel_loop3A_525 : memref<1x25600xf32, #tpu.memory_space<vmem>> -> memref<25600xf32, #tpu.memory_space<vmem>>
        tpu.vector_store_idx %parallel_loop3A_526[%parallel_loop3A_522], %parallel_loop3A_509 : memref<25600xf32, #tpu.memory_space<vmem>>[vector<16xi32>], vector<16xf32>,
        %parallel_loop3A_527 = arith.constant 600 : i32
        %parallel_loop3A_528 = arith.addi %parallel_loop3A_527, %parallel_loop3A_431 : i32
        %parallel_loop3A_529 = arith.constant 1 : i32
        %parallel_loop3A_530 = arith.index_cast %parallel_loop3A_529 : i32 to index
        %parallel_loop3A_531 = arith.index_cast %parallel_loop3A_528 : i32 to index
        %parallel_loop3A_532 = arith.constant 0 : index
        %parallel_loop3A_533 = tpu.vector_load %arg6[%parallel_loop3A_530, %parallel_loop3A_531, %parallel_loop3A_532] {strides = array<i32>} : memref<2x800x32xf32, #tpu.memory_space<vmem>>, vector<16xf32>,
        %parallel_loop3A_534 = arith.constant 600 : i32
        %parallel_loop3A_535 = arith.addi %parallel_loop3A_534, %parallel_loop3A_431 : i32
        %parallel_loop3A_536 = arith.constant 1 : i32
        %parallel_loop3A_537 = arith.index_cast %parallel_loop3A_536 : i32 to index
        %parallel_loop3A_538 = arith.index_cast %parallel_loop3A_535 : i32 to index
        %parallel_loop3A_539 = arith.constant 16 : index
        %parallel_loop3A_540 = tpu.vector_load %arg6[%parallel_loop3A_537, %parallel_loop3A_538, %parallel_loop3A_539] {strides = array<i32>} : memref<2x800x32xf32, #tpu.memory_space<vmem>>, vector<16xf32>,
        %parallel_loop3A_541 = arith.constant 19200 : i32
        %parallel_loop3A_542 = vector.broadcast %parallel_loop3A_541 : i32 to vector<16xi32>
        %parallel_loop3A_543 = arith.addi %parallel_loop3A_433, %parallel_loop3A_542 : vector<16xi32>
        %parallel_loop3A_544 = arith.constant 1 : i32
        %parallel_loop3A_545 = arith.constant 0 : i32
        %parallel_loop3A_546 = tpu.memref_slice %arg7[%parallel_loop3A_544, %parallel_loop3A_545] : memref<2x25600xf32, #tpu.memory_space<vmem>> -> memref<1x25600xf32, #tpu.memory_space<vmem>>
        %parallel_loop3A_547 = tpu.memref_squeeze %parallel_loop3A_546 : memref<1x25600xf32, #tpu.memory_space<vmem>> -> memref<25600xf32, #tpu.memory_space<vmem>>
        tpu.vector_store_idx %parallel_loop3A_547[%parallel_loop3A_543], %parallel_loop3A_533 : memref<25600xf32, #tpu.memory_space<vmem>>[vector<16xi32>], vector<16xf32>,
        %parallel_loop3A_548 = arith.constant 19200 : i32
        %parallel_loop3A_549 = vector.broadcast %parallel_loop3A_548 : i32 to vector<16xi32>
        %parallel_loop3A_550 = arith.addi %parallel_loop3A_433, %parallel_loop3A_549 : vector<16xi32>
        %parallel_loop3A_551 = arith.constant 3200 : i32
        %parallel_loop3A_552 = vector.broadcast %parallel_loop3A_551 : i32 to vector<16xi32>
        %parallel_loop3A_553 = arith.addi %parallel_loop3A_550, %parallel_loop3A_552 : vector<16xi32>
        %parallel_loop3A_554 = arith.constant 1 : i32
        %parallel_loop3A_555 = arith.constant 0 : i32
        %parallel_loop3A_556 = tpu.memref_slice %arg7[%parallel_loop3A_554, %parallel_loop3A_555] : memref<2x25600xf32, #tpu.memory_space<vmem>> -> memref<1x25600xf32, #tpu.memory_space<vmem>>
        %parallel_loop3A_557 = tpu.memref_squeeze %parallel_loop3A_556 : memref<1x25600xf32, #tpu.memory_space<vmem>> -> memref<25600xf32, #tpu.memory_space<vmem>>
        tpu.vector_store_idx %parallel_loop3A_557[%parallel_loop3A_553], %parallel_loop3A_540 : memref<25600xf32, #tpu.memory_space<vmem>>[vector<16xi32>], vector<16xf32>,
      } {sc.loop_unroll_factor = 2 : i64, sc.parallel_access}
      %mul3A_412 = arith.constant 25600 : i32
      %mul3A_413 = arith.muli %add3A_319, %mul3A_412 : i32
      %add3A_414 = arith.addi %mul3A_4, %mul3A_413 : i32
      %dma_start3A_415 = arith.constant 1 : i32
      %dma_start3A_416 = arith.constant 0 : i32
      %dma_start3A_417 = tpu.memref_slice %arg7[%dma_start3A_415, %dma_start3A_416] : memref<2x25600xf32, #tpu.memory_space<vmem>> -> memref<1x25600xf32, #tpu.memory_space<vmem>>
      %dma_start3A_418 = tpu.memref_squeeze %dma_start3A_417 : memref<1x25600xf32, #tpu.memory_space<vmem>> -> memref<25600xf32, #tpu.memory_space<vmem>>
      %dma_start3A_419 = tpu.memref_slice %arg4[%add3A_414] : memref<26214400xf32, #tpu.memory_space<hbm>> -> memref<25600xf32, #tpu.memory_space<hbm>>
      %dma_start3A_420 = tpu.memref_slice %arg4[%add3A_414] : memref<26214400xf32, #tpu.memory_space<hbm>> -> memref<25600xf32, #tpu.memory_space<hbm>>
      %dma_start3A_421 = arith.constant 0 : i32
      %dma_start3A_422 = tpu.memref_slice %arg7[%dma_start3A_415, %dma_start3A_421] : memref<2x25600xf32, #tpu.memory_space<vmem>> -> memref<1x25600xf32, #tpu.memory_space<vmem>>
      %dma_start3A_423 = tpu.memref_squeeze %dma_start3A_422 : memref<1x25600xf32, #tpu.memory_space<vmem>> -> memref<25600xf32, #tpu.memory_space<vmem>>
      tpu.enqueue_dma source(%dma_start3A_423 : memref<25600xf32, #tpu.memory_space<vmem>>) target(%dma_start3A_420 : memref<25600xf32, #tpu.memory_space<hbm>>) target_semaphore(%arg11 : memref<!tpu.dma_semaphore, #tpu.memory_space<semaphore_mem>>)
      %add3A_424 = arith.constant 2 : i32
      %add3A_425 = arith.addi %add3A_319, %add3A_424 : i32
      %lt3A_426 = arith.constant 32 : i32
      %lt3A_427 = arith.cmpi slt, %add3A_425, %lt3A_426 : i32
      %convert_element_type3A_428 = arith.extui %lt3A_427 : i1 to i32
      %cond3A_429 = arith.constant 0 : i32
      %cond3A_430 = arith.cmpi ne, %convert_element_type3A_428, %cond3A_429 : i32
      scf.if %cond3A_430 {
        %add3A_431 = arith.constant 2 : i32
        %add3A_432 = arith.addi %add3A_319, %add3A_431 : i32
        %mul3A_433 = arith.constant 800 : i32
        %mul3A_434 = arith.muli %add3A_432, %mul3A_433 : i32
        %add3A_435 = arith.addi %mul3A_2, %mul3A_434 : i32
        %run_scoped3A_436 = arith.constant 1 : i32
        "tpu.region"() ({
          %run_scoped3A_521 = tpu.sem_alloc : memref<!tpu.dma_semaphore, #tpu.memory_space<semaphore_mem>>
          %dma_start3A_522 = arith.constant 0 : i32
          %dma_start3A_523 = tpu.memref_slice %arg5[%run_scoped3A_436, %dma_start3A_522] : memref<2x800xi32, #tpu.memory_space<vmem>> -> memref<1x800xi32, #tpu.memory_space<vmem>>
          %dma_start3A_524 = tpu.memref_squeeze %dma_start3A_523 : memref<1x800xi32, #tpu.memory_space<vmem>> -> memref<800xi32, #tpu.memory_space<vmem>>
          %dma_start3A_525 = tpu.memref_slice %arg2[%add3A_435] : memref<819200xi32, #tpu.memory_space<hbm>> -> memref<800xi32, #tpu.memory_space<hbm>>
          %dma_start3A_526 = arith.constant 0 : i32
          %dma_start3A_527 = tpu.memref_slice %arg5[%run_scoped3A_436, %dma_start3A_526] : memref<2x800xi32, #tpu.memory_space<vmem>> -> memref<1x800xi32, #tpu.memory_space<vmem>>
          %dma_start3A_528 = tpu.memref_squeeze %dma_start3A_527 : memref<1x800xi32, #tpu.memory_space<vmem>> -> memref<800xi32, #tpu.memory_space<vmem>>
          %dma_start3A_529 = tpu.memref_slice %arg2[%add3A_435] : memref<819200xi32, #tpu.memory_space<hbm>> -> memref<800xi32, #tpu.memory_space<hbm>>
          tpu.enqueue_dma source(%dma_start3A_529 : memref<800xi32, #tpu.memory_space<hbm>>) target(%dma_start3A_528 : memref<800xi32, #tpu.memory_space<vmem>>) target_semaphore(%run_scoped3A_521 : memref<!tpu.dma_semaphore, #tpu.memory_space<semaphore_mem>>)
          %dma_wait3A_530 = arith.constant 0 : i32
          %dma_wait3A_531 = tpu.memref_slice %arg5[%run_scoped3A_436, %dma_wait3A_530] : memref<2x800xi32, #tpu.memory_space<vmem>> -> memref<1x800xi32, #tpu.memory_space<vmem>>
          %dma_wait3A_532 = tpu.memref_squeeze %dma_wait3A_531 : memref<1x800xi32, #tpu.memory_space<vmem>> -> memref<800xi32, #tpu.memory_space<vmem>>
          %dma_wait3A_533 = tpu.memref_slice %arg2[%add3A_435] : memref<819200xi32, #tpu.memory_space<hbm>> -> memref<800xi32, #tpu.memory_space<hbm>>
          %dma_wait3A_534 = arith.constant 0 : i32
          %dma_wait3A_535 = tpu.memref_slice %arg5[%run_scoped3A_436, %dma_wait3A_534] : memref<2x800xi32, #tpu.memory_space<vmem>> -> memref<1x800xi32, #tpu.memory_space<vmem>>
          %dma_wait3A_536 = tpu.memref_squeeze %dma_wait3A_535 : memref<1x800xi32, #tpu.memory_space<vmem>> -> memref<800xi32, #tpu.memory_space<vmem>>
          %dma_wait3A_537 = tpu.memref_slice %arg2[%add3A_435] : memref<819200xi32, #tpu.memory_space<hbm>> -> memref<800xi32, #tpu.memory_space<hbm>>
          tpu.wait_dma2 semaphore(%run_scoped3A_521 : memref<!tpu.dma_semaphore, #tpu.memory_space<semaphore_mem>>) src(%dma_wait3A_537 : memref<800xi32, #tpu.memory_space<hbm>>) dst(%dma_wait3A_536 : memref<800xi32, #tpu.memory_space<vmem>>)
          tpu.yield
        }) : () -> ()
        %dma_start3A_437 = arith.constant 1 : i32
        %dma_start3A_438 = arith.constant 1 : i32
        %dma_start3A_439 = arith.constant 0 : i32
        %dma_start3A_440 = arith.constant 0 : i32
        %dma_start3A_441 = tpu.memref_slice %arg6[%dma_start3A_438, %dma_start3A_439, %dma_start3A_440] : memref<2x800x32xf32, #tpu.memory_space<vmem>> -> memref<1x128x32xf32, #tpu.memory_space<vmem>>
        %dma_start3A_442 = tpu.memref_squeeze %dma_start3A_441 : memref<1x128x32xf32, #tpu.memory_space<vmem>> -> memref<128x32xf32, #tpu.memory_space<vmem>>
        %dma_start3A_443 = arith.constant 0 : i32
        %dma_start3A_444 = tpu.memref_slice %arg5[%dma_start3A_437, %dma_start3A_443] : memref<2x800xi32, #tpu.memory_space<vmem>> -> memref<1x128xi32, #tpu.memory_space<vmem>>
        %dma_start3A_445 = tpu.memref_squeeze %dma_start3A_444 : memref<1x128xi32, #tpu.memory_space<vmem>> -> memref<128xi32, #tpu.memory_space<vmem>>
        %dma_start3A_446 = arith.constant 0 : i32
        %dma_start3A_447 = arith.constant 0 : i32
        %dma_start3A_448 = tpu.memref_slice %arg3[%dma_start3A_446, %dma_start3A_447] : memref<1000000x32xf32, #tpu.memory_space<hbm>> -> memref<1000000x32xf32, #tpu.memory_space<hbm>>
        tpu.enqueue_indirect_dma source(%dma_start3A_448 : memref<1000000x32xf32, #tpu.memory_space<hbm>>) target(%dma_start3A_442 : memref<128x32xf32, #tpu.memory_space<vmem>>) offsets(%dma_start3A_445 : memref<128xi32, #tpu.memory_space<vmem>>) semaphore(%arg9 : memref<!tpu.dma_semaphore, #tpu.memory_space<semaphore_mem>>)
        %dma_start3A_449 = arith.constant 1 : i32
        %dma_start3A_450 = arith.constant 1 : i32
        %dma_start3A_451 = arith.constant 128 : i32
        %dma_start3A_452 = arith.constant 0 : i32
        %dma_start3A_453 = tpu.memref_slice %arg6[%dma_start3A_450, %dma_start3A_451, %dma_start3A_452] : memref<2x800x32xf32, #tpu.memory_space<vmem>> -> memref<1x128x32xf32, #tpu.memory_space<vmem>>
        %dma_start3A_454 = tpu.memref_squeeze %dma_start3A_453 : memref<1x128x32xf32, #tpu.memory_space<vmem>> -> memref<128x32xf32, #tpu.memory_space<vmem>>
        %dma_start3A_455 = arith.constant 128 : i32
        %dma_start3A_456 = tpu.memref_slice %arg5[%dma_start3A_449, %dma_start3A_455] : memref<2x800xi32, #tpu.memory_space<vmem>> -> memref<1x128xi32, #tpu.memory_space<vmem>>
        %dma_start3A_457 = tpu.memref_squeeze %dma_start3A_456 : memref<1x128xi32, #tpu.memory_space<vmem>> -> memref<128xi32, #tpu.memory_space<vmem>>
        %dma_start3A_458 = arith.constant 0 : i32
        %dma_start3A_459 = arith.constant 0 : i32
        %dma_start3A_460 = tpu.memref_slice %arg3[%dma_start3A_458, %dma_start3A_459] : memref<1000000x32xf32, #tpu.memory_space<hbm>> -> memref<1000000x32xf32, #tpu.memory_space<hbm>>
        tpu.enqueue_indirect_dma source(%dma_start3A_460 : memref<1000000x32xf32, #tpu.memory_space<hbm>>) target(%dma_start3A_454 : memref<128x32xf32, #tpu.memory_space<vmem>>) offsets(%dma_start3A_457 : memref<128xi32, #tpu.memory_space<vmem>>) semaphore(%arg9 : memref<!tpu.dma_semaphore, #tpu.memory_space<semaphore_mem>>)
        %dma_start3A_461 = arith.constant 1 : i32
        %dma_start3A_462 = arith.constant 1 : i32
        %dma_start3A_463 = arith.constant 256 : i32
        %dma_start3A_464 = arith.constant 0 : i32
        %dma_start3A_465 = tpu.memref_slice %arg6[%dma_start3A_462, %dma_start3A_463, %dma_start3A_464] : memref<2x800x32xf32, #tpu.memory_space<vmem>> -> memref<1x128x32xf32, #tpu.memory_space<vmem>>
        %dma_start3A_466 = tpu.memref_squeeze %dma_start3A_465 : memref<1x128x32xf32, #tpu.memory_space<vmem>> -> memref<128x32xf32, #tpu.memory_space<vmem>>
        %dma_start3A_467 = arith.constant 256 : i32
        %dma_start3A_468 = tpu.memref_slice %arg5[%dma_start3A_461, %dma_start3A_467] : memref<2x800xi32, #tpu.memory_space<vmem>> -> memref<1x128xi32, #tpu.memory_space<vmem>>
        %dma_start3A_469 = tpu.memref_squeeze %dma_start3A_468 : memref<1x128xi32, #tpu.memory_space<vmem>> -> memref<128xi32, #tpu.memory_space<vmem>>
        %dma_start3A_470 = arith.constant 0 : i32
        %dma_start3A_471 = arith.constant 0 : i32
        %dma_start3A_472 = tpu.memref_slice %arg3[%dma_start3A_470, %dma_start3A_471] : memref<1000000x32xf32, #tpu.memory_space<hbm>> -> memref<1000000x32xf32, #tpu.memory_space<hbm>>
        tpu.enqueue_indirect_dma source(%dma_start3A_472 : memref<1000000x32xf32, #tpu.memory_space<hbm>>) target(%dma_start3A_466 : memref<128x32xf32, #tpu.memory_space<vmem>>) offsets(%dma_start3A_469 : memref<128xi32, #tpu.memory_space<vmem>>) semaphore(%arg9 : memref<!tpu.dma_semaphore, #tpu.memory_space<semaphore_mem>>)
        %dma_start3A_473 = arith.constant 1 : i32
        %dma_start3A_474 = arith.constant 1 : i32
        %dma_start3A_475 = arith.constant 384 : i32
        %dma_start3A_476 = arith.constant 0 : i32
        %dma_start3A_477 = tpu.memref_slice %arg6[%dma_start3A_474, %dma_start3A_475, %dma_start3A_476] : memref<2x800x32xf32, #tpu.memory_space<vmem>> -> memref<1x128x32xf32, #tpu.memory_space<vmem>>
        %dma_start3A_478 = tpu.memref_squeeze %dma_start3A_477 : memref<1x128x32xf32, #tpu.memory_space<vmem>> -> memref<128x32xf32, #tpu.memory_space<vmem>>
        %dma_start3A_479 = arith.constant 384 : i32
        %dma_start3A_480 = tpu.memref_slice %arg5[%dma_start3A_473, %dma_start3A_479] : memref<2x800xi32, #tpu.memory_space<vmem>> -> memref<1x128xi32, #tpu.memory_space<vmem>>
        %dma_start3A_481 = tpu.memref_squeeze %dma_start3A_480 : memref<1x128xi32, #tpu.memory_space<vmem>> -> memref<128xi32, #tpu.memory_space<vmem>>
        %dma_start3A_482 = arith.constant 0 : i32
        %dma_start3A_483 = arith.constant 0 : i32
        %dma_start3A_484 = tpu.memref_slice %arg3[%dma_start3A_482, %dma_start3A_483] : memref<1000000x32xf32, #tpu.memory_space<hbm>> -> memref<1000000x32xf32, #tpu.memory_space<hbm>>
        tpu.enqueue_indirect_dma source(%dma_start3A_484 : memref<1000000x32xf32, #tpu.memory_space<hbm>>) target(%dma_start3A_478 : memref<128x32xf32, #tpu.memory_space<vmem>>) offsets(%dma_start3A_481 : memref<128xi32, #tpu.memory_space<vmem>>) semaphore(%arg9 : memref<!tpu.dma_semaphore, #tpu.memory_space<semaphore_mem>>)
        %dma_start3A_485 = arith.constant 1 : i32
        %dma_start3A_486 = arith.constant 1 : i32
        %dma_start3A_487 = arith.constant 512 : i32
        %dma_start3A_488 = arith.constant 0 : i32
        %dma_start3A_489 = tpu.memref_slice %arg6[%dma_start3A_486, %dma_start3A_487, %dma_start3A_488] : memref<2x800x32xf32, #tpu.memory_space<vmem>> -> memref<1x128x32xf32, #tpu.memory_space<vmem>>
        %dma_start3A_490 = tpu.memref_squeeze %dma_start3A_489 : memref<1x128x32xf32, #tpu.memory_space<vmem>> -> memref<128x32xf32, #tpu.memory_space<vmem>>
        %dma_start3A_491 = arith.constant 512 : i32
        %dma_start3A_492 = tpu.memref_slice %arg5[%dma_start3A_485, %dma_start3A_491] : memref<2x800xi32, #tpu.memory_space<vmem>> -> memref<1x128xi32, #tpu.memory_space<vmem>>
        %dma_start3A_493 = tpu.memref_squeeze %dma_start3A_492 : memref<1x128xi32, #tpu.memory_space<vmem>> -> memref<128xi32, #tpu.memory_space<vmem>>
        %dma_start3A_494 = arith.constant 0 : i32
        %dma_start3A_495 = arith.constant 0 : i32
        %dma_start3A_496 = tpu.memref_slice %arg3[%dma_start3A_494, %dma_start3A_495] : memref<1000000x32xf32, #tpu.memory_space<hbm>> -> memref<1000000x32xf32, #tpu.memory_space<hbm>>
        tpu.enqueue_indirect_dma source(%dma_start3A_496 : memref<1000000x32xf32, #tpu.memory_space<hbm>>) target(%dma_start3A_490 : memref<128x32xf32, #tpu.memory_space<vmem>>) offsets(%dma_start3A_493 : memref<128xi32, #tpu.memory_space<vmem>>) semaphore(%arg9 : memref<!tpu.dma_semaphore, #tpu.memory_space<semaphore_mem>>)
        %dma_start3A_497 = arith.constant 1 : i32
        %dma_start3A_498 = arith.constant 1 : i32
        %dma_start3A_499 = arith.constant 640 : i32
        %dma_start3A_500 = arith.constant 0 : i32
        %dma_start3A_501 = tpu.memref_slice %arg6[%dma_start3A_498, %dma_start3A_499, %dma_start3A_500] : memref<2x800x32xf32, #tpu.memory_space<vmem>> -> memref<1x128x32xf32, #tpu.memory_space<vmem>>
        %dma_start3A_502 = tpu.memref_squeeze %dma_start3A_501 : memref<1x128x32xf32, #tpu.memory_space<vmem>> -> memref<128x32xf32, #tpu.memory_space<vmem>>
        %dma_start3A_503 = arith.constant 640 : i32
        %dma_start3A_504 = tpu.memref_slice %arg5[%dma_start3A_497, %dma_start3A_503] : memref<2x800xi32, #tpu.memory_space<vmem>> -> memref<1x128xi32, #tpu.memory_space<vmem>>
        %dma_start3A_505 = tpu.memref_squeeze %dma_start3A_504 : memref<1x128xi32, #tpu.memory_space<vmem>> -> memref<128xi32, #tpu.memory_space<vmem>>
        %dma_start3A_506 = arith.constant 0 : i32
        %dma_start3A_507 = arith.constant 0 : i32
        %dma_start3A_508 = tpu.memref_slice %arg3[%dma_start3A_506, %dma_start3A_507] : memref<1000000x32xf32, #tpu.memory_space<hbm>> -> memref<1000000x32xf32, #tpu.memory_space<hbm>>
        tpu.enqueue_indirect_dma source(%dma_start3A_508 : memref<1000000x32xf32, #tpu.memory_space<hbm>>) target(%dma_start3A_502 : memref<128x32xf32, #tpu.memory_space<vmem>>) offsets(%dma_start3A_505 : memref<128xi32, #tpu.memory_space<vmem>>) semaphore(%arg9 : memref<!tpu.dma_semaphore, #tpu.memory_space<semaphore_mem>>)
        %dma_start3A_509 = arith.constant 1 : i32
        %dma_start3A_510 = arith.constant 1 : i32
        %dma_start3A_511 = arith.constant 768 : i32
        %dma_start3A_512 = arith.constant 0 : i32
        %dma_start3A_513 = tpu.memref_slice %arg6[%dma_start3A_510, %dma_start3A_511, %dma_start3A_512] : memref<2x800x32xf32, #tpu.memory_space<vmem>> -> memref<1x32x32xf32, #tpu.memory_space<vmem>>
        %dma_start3A_514 = tpu.memref_squeeze %dma_start3A_513 : memref<1x32x32xf32, #tpu.memory_space<vmem>> -> memref<32x32xf32, #tpu.memory_space<vmem>>
        %dma_start3A_515 = arith.constant 768 : i32
        %dma_start3A_516 = tpu.memref_slice %arg5[%dma_start3A_509, %dma_start3A_515] : memref<2x800xi32, #tpu.memory_space<vmem>> -> memref<1x32xi32, #tpu.memory_space<vmem>>
        %dma_start3A_517 = tpu.memref_squeeze %dma_start3A_516 : memref<1x32xi32, #tpu.memory_space<vmem>> -> memref<32xi32, #tpu.memory_space<vmem>>
        %dma_start3A_518 = arith.constant 0 : i32
        %dma_start3A_519 = arith.constant 0 : i32
        %dma_start3A_520 = tpu.memref_slice %arg3[%dma_start3A_518, %dma_start3A_519] : memref<1000000x32xf32, #tpu.memory_space<hbm>> -> memref<1000000x32xf32, #tpu.memory_space<hbm>>
        tpu.enqueue_indirect_dma source(%dma_start3A_520 : memref<1000000x32xf32, #tpu.memory_space<hbm>>) target(%dma_start3A_514 : memref<32x32xf32, #tpu.memory_space<vmem>>) offsets(%dma_start3A_517 : memref<32xi32, #tpu.memory_space<vmem>>) semaphore(%arg9 : memref<!tpu.dma_semaphore, #tpu.memory_space<semaphore_mem>>)
      } else {
      }
    }
    %scan3A_183 = arith.constant 16 : i32
    %add3A_184 = arith.constant 768000 : i32
    %add3A_185 = arith.addi %mul3A_4, %add3A_184 : i32
    %dma_wait3A = arith.constant 0 : i32
    %dma_wait3A_186 = arith.constant 0 : i32
    %dma_wait3A_187 = tpu.memref_slice %arg7[%dma_wait3A, %dma_wait3A_186] : memref<2x25600xf32, #tpu.memory_space<vmem>> -> memref<1x25600xf32, #tpu.memory_space<vmem>>
    %dma_wait3A_188 = tpu.memref_squeeze %dma_wait3A_187 : memref<1x25600xf32, #tpu.memory_space<vmem>> -> memref<25600xf32, #tpu.memory_space<vmem>>
    %dma_wait3A_189 = tpu.memref_slice %arg4[%add3A_185] : memref<26214400xf32, #tpu.memory_space<hbm>> -> memref<25600xf32, #tpu.memory_space<hbm>>
    %dma_wait3A_190 = tpu.memref_slice %arg4[%add3A_185] : memref<26214400xf32, #tpu.memory_space<hbm>> -> memref<25600xf32, #tpu.memory_space<hbm>>
    %dma_wait3A_191 = arith.constant 0 : i32
    %dma_wait3A_192 = tpu.memref_slice %arg7[%dma_wait3A, %dma_wait3A_191] : memref<2x25600xf32, #tpu.memory_space<vmem>> -> memref<1x25600xf32, #tpu.memory_space<vmem>>
    %dma_wait3A_193 = tpu.memref_squeeze %dma_wait3A_192 : memref<1x25600xf32, #tpu.memory_space<vmem>> -> memref<25600xf32, #tpu.memory_space<vmem>>
    tpu.wait_dma2 semaphore(%arg10 : memref<!tpu.dma_semaphore, #tpu.memory_space<semaphore_mem>>) src(%dma_wait3A_193 : memref<25600xf32, #tpu.memory_space<vmem>>) dst(%dma_wait3A_190 : memref<25600xf32, #tpu.memory_space<hbm>>)
    %add3A_194 = arith.constant 793600 : i32
    %add3A_195 = arith.addi %mul3A_4, %add3A_194 : i32
    %dma_wait3A_196 = arith.constant 1 : i32
    %dma_wait3A_197 = arith.constant 0 : i32
    %dma_wait3A_198 = tpu.memref_slice %arg7[%dma_wait3A_196, %dma_wait3A_197] : memref<2x25600xf32, #tpu.memory_space<vmem>> -> memref<1x25600xf32, #tpu.memory_space<vmem>>
    %dma_wait3A_199 = tpu.memref_squeeze %dma_wait3A_198 : memref<1x25600xf32, #tpu.memory_space<vmem>> -> memref<25600xf32, #tpu.memory_space<vmem>>
    %dma_wait3A_200 = tpu.memref_slice %arg4[%add3A_195] : memref<26214400xf32, #tpu.memory_space<hbm>> -> memref<25600xf32, #tpu.memory_space<hbm>>
    %dma_wait3A_201 = tpu.memref_slice %arg4[%add3A_195] : memref<26214400xf32, #tpu.memory_space<hbm>> -> memref<25600xf32, #tpu.memory_space<hbm>>
    %dma_wait3A_202 = arith.constant 0 : i32
    %dma_wait3A_203 = tpu.memref_slice %arg7[%dma_wait3A_196, %dma_wait3A_202] : memref<2x25600xf32, #tpu.memory_space<vmem>> -> memref<1x25600xf32, #tpu.memory_space<vmem>>
    %dma_wait3A_204 = tpu.memref_squeeze %dma_wait3A_203 : memref<1x25600xf32, #tpu.memory_space<vmem>> -> memref<25600xf32, #tpu.memory_space<vmem>>
    tpu.wait_dma2 semaphore(%arg11 : memref<!tpu.dma_semaphore, #tpu.memory_space<semaphore_mem>>) src(%dma_wait3A_204 : memref<25600xf32, #tpu.memory_space<vmem>>) dst(%dma_wait3A_201 : memref<25600xf32, #tpu.memory_space<hbm>>)
    return
  }
}

</mosaic_0001>

<sc_bundles>
// kernel: kernel.3.cloned.1.call-start
scs
__scs_entry_jumppad:
0x0: {  	(pc) =	sbr.rel $0x88, $3  }
0x1: {  	(tag) =	ssettag $0x0;
	lr =	simm.s32 $0x1  }
0x2: {  	[smem:$0x3F9F] =	sst lr;
	_ =	strace $0xD0000000  }
0x3: {  	_ = 	snop  }
0x4: {  	_ = 	snop  }
0x5: {  	_ = 	snop  }
0x6: {  	_ = 	snop  }
0x7: {  	_ = 	snop  }
__scs_overlays_trampoline_lowered:
0x8: {  	[smem:$0x3FAE] =	sst s0  }
0x9: {  	[smem:$0x3FAF] =	sst s1  }
0xa: {  	[smem:$0x3FB0] =	sst s2  }
0xb: {  	[smem:$0x3FB1] =	sst s3  }
0xc: {  	[smem:$0x3FB2] =	sst s4  }
0xd: {  	[smem:$0x3FB3] =	sst s5  }
0xe: {  	[smem:$0x3FB4] =	sst s6  }
0xf: {  	[smem:$0x3FB5] =	sst s7  }
0x10: {  	[smem:$0x3FB6] =	sst s8  }
0x11: {  	[smem:$0x3FB7] =	sst s9;
	s0 =	simm.s32 @!p0 $0x0  }
0x12: {  	s1 =	sld [smem:$0x3F9D];
	s0 =	simm.s32 @p0 $0x1  }
0x13: {  	[smem:$0x3FB8] =	sst s0;
	s0 =	simm.s32 @!p1 $0x0  }
0x14: {  	s2 =	sld [smem:$0x3F9C];
	s0 =	simm.s32 @p1 $0x1  }
0x15: {  	[smem:$0x3FB9] =	sst s0;
	s0 =	simm.s32 @!p2 $0x0  }
0x16: {  	s3 =	sld [smem:$0x3FDB];
	s0 =	simm.s32 @p2 $0x1  }
0x17: {  	s4 =	simm.s32 $0x1BF5;
	[smem:$0x3FBB] =	sst s0  }
0x18: {  	s0 =	sld [smem:$0x3F9E];
	_ =	swait.ge [sflag:s4], $0x0  }
0x19: {  	s7 =	sld [smem:$0x3F9F]  }
0x1a: {  	s8 =	sadd.s32 $0xFFFFE003, lr  }
0x1b: {  	s9 =	sadd.s32 $0xFFFFFEF7, lr;
	s5 =	simm.s32 $0xFFFFFFFF;
	p2 =	slt.u32 s8, $0xFFFFF086  }
0x1c: {  	p1 =	slt.u32 s9, $0xF7A;
	s5 =	simm.s32 @!p2 $0x0  }
0x1d: {  	s5 =	simm.s32 @p1 $0x1;
	p0 =	seq.s32 s7, s2  }
0x1e: {  	s7 =	smul.u32 @!p0 $0xF7A, s2;
	p2 =	seq.s32 @!p0 s5, $0x0  }
0x1f: {  	s9 =	smul.u32 $0xF7A, s1;
	s8 =	simm.s32 @!p0 $0x1BF5;
	p2 =	por !p2, p0  }
0x20: {  	[sflag:s8] =	ssyncset.s32 @!p0 $0xFFFFF086;
	s6 =	sadd.s32 @!p0 s3, s7;
	s7 =	simm.s32 @!p0 $0x108  }
0x21: {  	s3 =	sadd.s32 s3, s9;
	s6 =	sadd.s32 @!p0 $0x88, s6;
	s7 =	simm.s32 @p2 $0x1082  }
0x22: {  	[simem:s7], [sflag:s8] =	dma.local @!p0 [hbm:s6], $0xF7A  }
0x23: {  	s9 =	sor.u32 $0xD0000000, s2;
	s6 =	simm.s32 $0x108;
	_ =	swait.ge @!p0 [sflag:s8], $0x0  }
0x24: {  	s3 =	sadd.s32 $0x88, s3;
	s6 =	simm.s32 @!p1 $0x1082;
	[sflag:s4] =	ssyncset.s32 $0xFFFFF086  }
0x25: {  	[simem:s6], [sflag:s4] =	dma.local [hbm:s3], $0xF7A  }
0x26: {  	[smem:$0x3F9F] =	sst s1;
	(tag) =	ssettag s2;
	_ =	strace s9  }
0x27: {  	s1 =	sld [smem:$0x3FAF]  }
0x28: {  	s2 =	sld [smem:$0x3FB0]  }
0x29: {  	s4 =	sld [smem:$0x3FB2]  }
0x2a: {  	p0 =	seq.s32 s5, $0x0;
	s5 =	sld [smem:$0x3FB3]  }
0x2b: {  	s6 =	sld [smem:$0x3FB4]  }
0x2c: {  	s7 =	sld [smem:$0x3FB5]  }
0x2d: {  	s3 =	simm.s32 $0x108;
	s8 =	sld [smem:$0x3FB6]  }
0x2e: {  	s3 =	simm.s32 @!p0 $0x1082;
	s9 =	sld [smem:$0x3FB7]  }
0x2f: {  	lr =	sadd.s32 s0, s3;
	s0 =	sld [smem:$0x3FAE]  }
0x30: {  	s3 =	sld [smem:$0x3FB1]  }
0x31: {  	[smem:$0x3FBA] =	sst s10  }
0x32: {  	s10 =	sld [smem:$0x3FB8];
	_ =	sdelay $0x3  }
0x33: {  	p0 =	seq.s32 s10, $0x1;
	s10 =	sld [smem:$0x3FBA];
	_ =	sdelay $0x3  }
0x34: {  	[smem:$0x3FBA] =	sst s10  }
0x35: {  	s10 =	sld [smem:$0x3FB9];
	_ =	sdelay $0x3  }
0x36: {  	p1 =	seq.s32 s10, $0x1;
	s10 =	sld [smem:$0x3FBA];
	_ =	sdelay $0x3  }
0x37: {  	[smem:$0x3FBA] =	sst s10  }
0x38: {  	s10 =	sld [smem:$0x3FBB]  }
0x39: {  	_ = 	snop;
	(pc) =	sbr.ind lr, $3  }
0x3a: {  	_ = 	snop  }
0x3b: {  	_ = 	snop  }
0x3c: {  	p2 =	seq.s32 s10, $0x1;
	s10 =	sld [smem:$0x3FBA]  }
0x3d: {  	_ =	shalt  }
0x3e: {  	_ =	shalt  }
0x3f: {  	_ =	shalt  }
0x40: {  	_ =	shalt  }
0x41: {  	_ =	shalt  }
0x42: {  	_ =	shalt  }
0x43: {  	_ =	shalt  }
0x44: {  	_ =	shalt  }
0x45: {  	_ =	shalt  }
0x46: {  	_ =	shalt  }
0x47: {  	_ =	shalt  }
0x48: {  	_ =	shalt  }
0x49: {  	_ =	shalt  }
0x4a: {  	_ =	shalt  }
0x4b: {  	_ =	shalt  }
0x4c: {  	_ =	shalt  }
0x4d: {  	_ =	shalt  }
0x4e: {  	_ =	shalt  }
0x4f: {  	_ =	shalt  }
0x50: {  	_ =	shalt  }
0x51: {  	_ =	shalt  }
0x52: {  	_ =	shalt  }
0x53: {  	_ =	shalt  }
0x54: {  	_ =	shalt  }
0x55: {  	_ =	shalt  }
0x56: {  	_ =	shalt  }
0x57: {  	_ =	shalt  }
0x58: {  	_ =	shalt  }
0x59: {  	_ =	shalt  }
0x5a: {  	_ =	shalt  }
0x5b: {  	_ =	shalt  }
0x5c: {  	_ =	shalt  }
0x5d: {  	_ =	shalt  }
0x5e: {  	_ =	shalt  }
0x5f: {  	_ =	shalt  }
0x60: {  	_ =	shalt  }
0x61: {  	_ =	shalt  }
0x62: {  	_ =	shalt  }
0x63: {  	_ =	shalt  }
0x64: {  	_ =	shalt  }
0x65: {  	_ =	shalt  }
0x66: {  	_ =	shalt  }
0x67: {  	_ =	shalt  }
0x68: {  	_ =	shalt  }
0x69: {  	_ =	shalt  }
0x6a: {  	_ =	shalt  }
0x6b: {  	_ =	shalt  }
0x6c: {  	_ =	shalt  }
0x6d: {  	_ =	shalt  }
0x6e: {  	_ =	shalt  }
0x6f: {  	_ =	shalt  }
0x70: {  	_ =	shalt  }
0x71: {  	_ =	shalt  }
0x72: {  	_ =	shalt  }
0x73: {  	_ =	shalt  }
0x74: {  	_ =	shalt  }
0x75: {  	_ =	shalt  }
0x76: {  	_ =	shalt  }
0x77: {  	_ =	shalt  }
0x78: {  	_ =	shalt  }
0x79: {  	_ =	shalt  }
0x7a: {  	_ =	shalt  }
0x7b: {  	_ =	shalt  }
0x7c: {  	_ =	shalt  }
0x7d: {  	_ =	shalt  }
0x7e: {  	_ =	shalt  }
0x7f: {  	_ =	shalt  }
0x80: {  	_ =	shalt  }
0x81: {  	_ =	shalt  }
0x82: {  	_ =	shalt  }
0x83: {  	_ =	shalt  }
0x84: {  	_ =	shalt  }
0x85: {  	_ =	shalt  }
0x86: {  	_ =	shalt  }
0x87: {  	_ =	shalt  }
.Lfunc_end0:
.L_simem_size_0:
called_computation.1_lowered:
.L_overlay_start_0:
0x88: {  	s2 =	sld [smem:$0x3FD9]  }
0x89: {  	s3 =	sld [smem:$0x3FFE];
	_ =	sdelay $0x1  }
0x8a: {  	s1 =	srdreg.scid  }
0x8b: {  	s0 =	sand.u32 $0x1, s1  }
0x8c: {  	s17 =	sshll.u32 s0, $0xA;
	s2 =	sadd.s32 s3, s2  }
0x8d: {  	s2 =	sadd.s32 s2, s17  }
0x8e: {  	[smem:$0x3FC6] =	sst s2  }
0x8f: {  	_ = 	snop  }
0x90: {  	s2 =	sld [smem:$0x3FD0];
	(tm) =	ssettm $0x1  }
0x91: {  	s18 =	sld [smem:$0x3FFB];
	_ =	sdelay $0x3  }
0x92: {  	_ =	strace s18  }
0x93: {  	s3 =	sld [smem:$0x3FFC];
	_ =	sdelay $0x3  }
0x94: {  	_ =	strace s3  }
0x95: {  	s3 =	sld [smem:$0x3FFD];
	_ =	sdelay $0x3  }
0x96: {  	_ =	strace s3  }
0x97: {  	_ =	strace $0x8FFFFFFF  }
0x98: {  	s19 =	sld [smem:$0x3FDB];
	_ =	sdelay $0x1  }
0x99: {  	s4 =	simm.s32 $_scs_section_size  }
0x9a: {  	s5 =	simm.s32 $_size__tile_overlayer_lowered;
	s6 =	simm.s32 $_tile_overlayer_lowered  }
0x9b: {  	s22 =	simm.s32 $0x1BFF;
	s21 =	sshll.u32 s6, $0x1;
	s3 =	sadd.s32 s4, s19  }
0x9c: {  	s7 =	simm.s32 $0x0;
	s20 =	sshll.u32 s5, $0x1;
	s5 =	sadd.s32 s21, s3  }
0x9d: {  	[timem:s7], [sflag:s22] =	dma.local [hbm:s5], s20  }
0x9e: {  	_ =	swait.ge [sflag:s22], s20  }
0x9f: {  	s4 =	ssub.s32 $0x0, s20;
	[sflag:s22] =	ssyncset.done $0x0  }
0xa0: {  	[sflag:s22] =	ssyncadd.s32 s4;
	_ =	sdelay $0x1  }
0xa1: {  	s23 =	simm.s32 $0x1B8B  }
0xa2: {  	_ =	swait.ge [sflag:s23], $0x1  }
0xa3: {  	[sflag:s23] =	ssyncset.done $0x0  }
0xa4: {  	s25 =	simm.s32 $0x1B8E;
	s24 =	sld [smem:$0x3FFE];
	[sflag:s23] =	ssyncadd.s32 $0xFFFFFFFF  }
0xa5: {  	s26 =	simm.s32 $execute0_lowered;
	[smem:$0x3FD2] =	sst s25  }
0xa6: {  	s5 =	sshll.u32 s26, $0x1;
	_ =	strace $0x80000046;
	[dreg:$0x1] =	wrdreg $0xFFFFFFFF  }
0xa7: {  	s28 =	simm.s32 $_size_execute0_lowered;
	s3 =	sadd.s32 s3, s5;
	[dreg:$0x0] =	wrdreg $0x0  }
0xa8: {  	s5 =	sshll.u32 s28, $0x1;
	[dreg:$0x2] =	wrdreg s3  }
0xa9: {  	[dreg:$0x3] =	wrdreg s5  }
0xaa: {  	[dreg:$0x4] =	wrdreg $0xC0  }
0xab: {  	_ =	task [dreg:s7], $0x5FFFF  }
0xac: {  	[dreg:$0x1] =	wrdreg $0xFFFFFFFF  }
0xad: {  	[dreg:$0x0] =	wrdreg $0x60  }
0xae: {  	[dreg:$0x2] =	wrdreg s24  }
0xaf: {  	[dreg:$0x3] =	wrdreg s2  }
0xb0: {  	[dreg:$0x4] =	wrdreg $0x9  }
0xb1: {  	_ =	task.clear_ibuf [dreg:s7], $0x5FFFF;
	_ =	strace $0x90000046  }
0xb2: {  	s29 =	simm.s32 $0x9;
	_ =	strace $0x80000048  }
0xb3: {  	_ =	swait.ge [sflag:s29], $0x1  }
0xb4: {  	[sflag:s29] =	ssyncadd.s32 $0xFFFFFFFF  }
0xb5: {  	_ =	strace $0x90000048  }
0xb6: {  	_ =	sfence  }
0xb7: {  	s30 =	sld [smem:$0x0];
	_ =	sdelay $0x2  }
0xb8: {  	s31 =	sshll.u32 s1, $0xD;
	s1 =	sshrl.u32 s1, $0x2  }
0xb9: {  	s3 =	sand.u32 $0x4000, s31;
	s1 =	sadd.s32 s1, s30  }
0xba: {  	s0 =	sor.u32 s3, s0;
	s1 =	sshll.u32 s1, $0x11  }
0xbb: {  	s0 =	sor.u32 s1, s0  }
0xbc: {  	s0 =	sadd.s32 $0x8F2B, s0  }
0xbd: {  	[sflag:s0] =	ssyncadd.remote.s32 $0x1  }
0xbe: {  	_ =	sfence.sel $0xFFFF  }
0xbf: {  	[dreg:$0x0] =	wrdreg $0xFFFFFFFF;
	(pc) =	sbr.abs _section_cstart, $3  }
0xc0: {  	[dreg:$0x1] =	wrdreg $0xFFFFFFFF  }
0xc1: {  	_ =	task.clear_ibuf [dreg:s7], $0x2FFFF;
	_ =	strace $0x9FFFFFFF  }
0xc2: {  	(tm) =	ssettm $0x7FFFFFFF  }
0xc3: {  	_ =	shalt  }
tec
execute0_lowered:
.L_overlay_start_1:
0x0: {  	(tag) =	ssettag $0x1  }
0x1: {  	s0 =	rddreg [dreg:$0x0];
	s1 =	srdreg.scid  }
0x2: {  	s3 =	stileid.u32;
	s2 =	rddreg [dreg:$0x1]  }
0x3: {  	s13 =	simm.s32 $0x5;
	s14 =	simm.s32 $0x80;
	s25 =	simm.s32 $0x20  }
0x4: {  	s29 =	simm.s32 $0x320;
	s21 =	simm.s32 $0xBA40;
	s22 =	simm.s32 $0x620  }
0x5: {  	s23 =	simm.s32 $0xCA40;
	s24 =	simm.s32 $0x1;
	s26 =	simm.s32 $0xCE40  }
0x6: {  	s28 =	simm.s32 $0x2;
	s1 =	sand.u32 $0x1, s1;
	s4 =	sshll.u32 s3, $0x1  }
0x7: {  	s3 =	simm.s32 $0x0;
	s5 =	sadd.s32 $0xF42E00, s0;
	s6 =	sor.u32 s1, s4  }
0x8: {  	[smem:$0x7FF] =	sst s3;
	s30 =	ssub.s32 $0x2, s1;
	s7 =	smul.u32 $0x6400, s6  }
0x9: {  	v0 =	vlaneseq.u32;
	s4 =	sadd.s32 $0xA00, s0;
	s8 =	sshrl.u32 s30, $0x1;
	s6 =	smul.u32 $0xC8000, s6  }
.Ltmp0:
0xa: {  	v0 =	vmul.u32 $0xC8, v0;
	_ =	strace $0x80000047;
	s0 =	ssub.s32 s30, s8;
	(pc) =	sbr.rel .LBB2_1-.Ltmp0, $4  }
0xb: {  	s8 =	simm.s32 $0x13240;
	s31 =	sshrl.u32 s7, $0x3;
	s0 =	smax.u32 s0, $0x1  }
0xc: {  	v1 =	vadd.s32 $0xC80, v0;
	s9 =	sadd.s32 $0x640, s7;
	s1 =	sadd.s32 s4, s31;
	[dreg:$0x5] =	wrdreg s0  }
0xd: {  	v2 =	vadd.s32 $0x1900, v0;
	v3 =	vadd.s32 $0x2580, v0;
	v4 =	vadd.s32 $0x3200, v0;
	s10 =	sor.u32 $0x6400, s6;
	[dreg:$0x3] =	wrdreg s1;
	s1 =	sadd.s32 $0x64, s1  }
0xe: {  	v5 =	vadd.s32 $0x3E80, v0;
	v6 =	vadd.s32 $0x4B00, v0;
	v7 =	vadd.s32 $0x5780, v0;
	s11 =	sadd.s32 $0x960, s7;
	s7 =	simm.s32 $0x0;
	[dreg:$0x4] =	wrdreg s1  }
.LBB2_8:
0xf: {  	s0 =	simm.s32 $0x3  }
0x10: {  	_ =	swait.ge [sflag:s0], $0x6400  }
0x11: {  	[sflag:s0] =	ssyncset.done $0x0  }
0x12: {  	s1 =	simm.s32 $0x4;
	[sflag:s0] =	ssyncadd.s32 $0xFFFF9C00  }
0x13: {  	_ =	swait.ge [sflag:s1], $0x6400  }
0x14: {  	s7 =	rddreg [dreg:$0x6]  }
0x15: {  	s31 =	rddreg [dreg:$0x5];
	s7 =	sadd.s32 $0x1, s7  }
0x16: {  	p0 =	sne.s32 s7, s31  }
.Ltmp1:
0x17: {  	_ = 	snop;
	(pc) =	sbr.rel @!p0 .LBB2_9-.Ltmp1, $3  }
0x18: {  	_ =	sdelay $0x1  }
0x19: {  	[sflag:s1] =	ssyncset.done $0x0  }
0x1a: {  	[sflag:s1] =	ssyncadd.s32 $0xFFFF9C00  }
.LBB2_1:
0x1b: {  	[dreg:$0x6] =	wrdreg s7  }
0x1c: {  	s0 =	rddreg [dreg:$0x3]  }
0x1d: {  	[tilespmem:s3], [sflag:$0x5] =	stream.linear.gather [hbm4b:s0+s3], $0x320, $0x38;
	[tilespmem:$0x19640] =	vst v63  }
0x1e: {  	_ =	swait.ge [sflag:s13], $0x320  }
0x1f: {  	[sflag:s13] =	ssyncset.done $0x0  }
0x20: {  	s1 =	simm.s32 $0x640;
	[sflag:s13] =	ssyncadd.s32 $0xFFFFFCE0  }
0x21: {  	[tilespmem:s1], [sflag:$0x1] =	stream.indirect.gather [hbm4b:s5+s14], $0x20, s3, s14, $0xb8;
	[tilespmem:$0x19640] =	vst v63  }
0x22: {  	s7 =	simm.s32 $0x1640  }
0x23: {  	[tilespmem:s7], [sflag:$0x1] =	stream.indirect.gather [hbm4b:s5+s14], $0x20, s14, s14, $0xb8;
	[tilespmem:$0x19640] =	vst v63  }
0x24: {  	s12 =	simm.s32 $0x100;
	s1 =	simm.s32 $0x2640  }
0x25: {  	[tilespmem:s1], [sflag:$0x1] =	stream.indirect.gather [hbm4b:s5+s14], $0x20, s12, s14, $0xb8;
	[tilespmem:$0x19640] =	vst v63  }
0x26: {  	s15 =	simm.s32 $0x180;
	s16 =	simm.s32 $0x3640  }
0x27: {  	[tilespmem:s16], [sflag:$0x1] =	stream.indirect.gather [hbm4b:s5+s14], $0x20, s15, s14, $0xb8;
	[tilespmem:$0x19640] =	vst v63  }
0x28: {  	s17 =	simm.s32 $0x200;
	s18 =	simm.s32 $0x4640  }
0x29: {  	[tilespmem:s18], [sflag:$0x1] =	stream.indirect.gather [hbm4b:s5+s14], $0x20, s17, s14, $0xb8;
	[tilespmem:$0x19640] =	vst v63  }
0x2a: {  	s19 =	simm.s32 $0x280;
	s20 =	simm.s32 $0x5640  }
0x2b: {  	[tilespmem:s20], [sflag:$0x1] =	stream.indirect.gather [hbm4b:s5+s14], $0x20, s19, s14, $0xb8;
	[tilespmem:$0x19640] =	vst v63  }
0x2c: {  	s30 =	simm.s32 $0x300;
	s31 =	simm.s32 $0x6640  }
0x2d: {  	[tilespmem:s31], [sflag:$0x1] =	stream.indirect.gather [hbm4b:s5+s25], $0x20, s30, s25, $0xb8;
	[tilespmem:$0x19640] =	vst v63  }
0x2e: {  	s1 =	rddreg [dreg:$0x4]  }
0x2f: {  	[tilespmem:s29], [sflag:$0x5] =	stream.linear.gather [hbm4b:s1+s3], $0x320, $0x38;
	[tilespmem:$0x19640] =	vst v63  }
0x30: {  	_ =	swait.ge [sflag:s13], $0x320  }
0x31: {  	[sflag:s13] =	ssyncset.done $0x0  }
0x32: {  	s7 =	simm.s32 $0x6A40;
	[sflag:s13] =	ssyncadd.s32 $0xFFFFFCE0  }
0x33: {  	[tilespmem:s7], [sflag:$0x2] =	stream.indirect.gather [hbm4b:s5+s14], $0x20, s29, s14, $0xb8;
	[tilespmem:$0x19640] =	vst v63  }
0x34: {  	s12 =	simm.s32 $0x3A0;
	s15 =	simm.s32 $0x7A40  }
0x35: {  	[tilespmem:s15], [sflag:$0x2] =	stream.indirect.gather [hbm4b:s5+s14], $0x20, s12, s14, $0xb8;
	[tilespmem:$0x19640] =	vst v63  }
0x36: {  	s16 =	simm.s32 $0x420;
	s17 =	simm.s32 $0x8A40  }
0x37: {  	[tilespmem:s17], [sflag:$0x2] =	stream.indirect.gather [hbm4b:s5+s14], $0x20, s16, s14, $0xb8;
	[tilespmem:$0x19640] =	vst v63  }
0x38: {  	s18 =	simm.s32 $0x4A0;
	s19 =	simm.s32 $0x9A40  }
0x39: {  	[tilespmem:s19], [sflag:$0x2] =	stream.indirect.gather [hbm4b:s5+s14], $0x20, s18, s14, $0xb8;
	[tilespmem:$0x19640] =	vst v63  }
0x3a: {  	s20 =	simm.s32 $0x520;
	s30 =	simm.s32 $0xAA40  }
0x3b: {  	[tilespmem:s30], [sflag:$0x2] =	stream.indirect.gather [hbm4b:s5+s14], $0x20, s20, s14, $0xb8;
	[tilespmem:$0x19640] =	vst v63  }
0x3c: {  	s31 =	simm.s32 $0x5A0  }
0x3d: {  	[tilespmem:s21], [sflag:$0x2] =	stream.indirect.gather [hbm4b:s5+s14], $0x20, s31, s14, $0xb8;
	[tilespmem:$0x19640] =	vst v63  }
0x3e: {  	s7 =	simm.s32 $0x0  }
0x3f: {  	[tilespmem:s23], [sflag:$0x2] =	stream.indirect.gather [hbm4b:s5+s25], $0x20, s22, s25, $0xb8;
	[tilespmem:$0x19640] =	vst v63  }
.LBB2_2:
0x40: {  	_ =	swait.ge [sflag:s24], $0x1000  }
0x41: {  	[sflag:s24] =	ssyncset.done $0x0  }
0x42: {  	[sflag:s24] =	ssyncadd.s32 $0xFFFFF000  }
0x43: {  	_ =	swait.ge [sflag:s24], $0x1000  }
0x44: {  	[sflag:s24] =	ssyncset.done $0x0  }
0x45: {  	[sflag:s24] =	ssyncadd.s32 $0xFFFFF000  }
0x46: {  	_ =	swait.ge [sflag:s24], $0x1000  }
0x47: {  	[sflag:s24] =	ssyncset.done $0x0  }
0x48: {  	[sflag:s24] =	ssyncadd.s32 $0xFFFFF000  }
0x49: {  	_ =	swait.ge [sflag:s24], $0x1000  }
0x4a: {  	[sflag:s24] =	ssyncset.done $0x0  }
0x4b: {  	[sflag:s24] =	ssyncadd.s32 $0xFFFFF000  }
0x4c: {  	_ =	swait.ge [sflag:s24], $0x1000  }
0x4d: {  	[sflag:s24] =	ssyncset.done $0x0  }
0x4e: {  	[sflag:s24] =	ssyncadd.s32 $0xFFFFF000  }
0x4f: {  	_ =	swait.ge [sflag:s24], $0x1000  }
0x50: {  	[sflag:s24] =	ssyncset.done $0x0  }
0x51: {  	[sflag:s24] =	ssyncadd.s32 $0xFFFFF000  }
0x52: {  	_ =	swait.ge [sflag:s24], $0x400  }
0x53: {  	p0 =	seq.s32 s7, $0x0;
	[sflag:s24] =	ssyncset.done $0x0  }
0x54: {  	s1 =	simm.s32 @!p0 $0x3;
	[sflag:s24] =	ssyncadd.s32 $0xFFFFFC00  }
0x55: {  	s0 =	simm.s32 $0x0;
	_ =	swait.ge @!p0 [sflag:s1], $0x6400  }
0x56: {  	v8 =	vmov s0;
	v9 =	vadd.s32 s0, v0;
	[sflag:s1] =	ssyncset.done @!p0 $0x0  }
0x57: {  	s16 =	simm.s32 $0x640;
	v10 =	vadd.s32 s0, v1;
	v9 =	vand.u32 $0x1FF8, v9;
	v8 =	vand.u32 $0x6, v8;
	[sflag:s1] =	ssyncadd.s32 @!p0 $0xFFFF9C00  }
0x58: {  	v10 =	vand.u32 $0x3FF8, v10;
	v9 =	vor.u32 v8, v9;
	v11 =	vld [tilespmem:s16+$0x0]  }
0x59: {  	v10 =	vor.u32 v8, v10;
	v12 =	vld [tilespmem:s16+$0x10]  }
0x5a: {  	s31 =	simm.s32 $0x1  }
0x5b: {  	v13 =	vadd.s32 s31, v0;
	v14 =	vld [tilespmem:s16+$0x20]  }
0x5c: {  	v16 =	vadd.s32 s31, v1;
	v15 =	vld [tilespmem:s16+$0x30]  }
0x5d: {  	[tilespmem:v9+s26+$0x0] =	vst.idx.msk $0xffff, v11;
	v9 =	vadd.s32 s0, v2  }
0x5e: {  	[tilespmem:v10+s26+$0x0] =	vst.idx.msk $0xffff, v12;
	v9 =	vand.u32 $0x7FF8, v9;
	v10 =	vadd.s32 s0, v3  }
0x5f: {  	v11 =	vld [tilespmem:s16+$0x1900];
	v9 =	vor.u32 v8, v9;
	v10 =	vand.u32 $0x7FF8, v10  }
0x60: {  	s17 =	simm.s32 $0x2;
	[tilespmem:v13+s26+$0x0] =	vst.idx.msk $0xffff, v14;
	v12 =	vld [tilespmem:s16+$0x1910];
	v10 =	vor.u32 v8, v10  }
0x61: {  	v17 =	vadd.s32 s17, v0;
	[tilespmem:v16+s26+$0x0] =	vst.idx.msk $0xffff, v15  }
0x62: {  	v19 =	vadd.s32 s17, v1;
	v13 =	vadd.s32 s31, v2;
	v16 =	vmov s17;
	v14 =	vld [tilespmem:s16+$0x1920]  }
0x63: {  	s12 =	simm.s32 $0x680;
	v17 =	vand.u32 $0x1FF8, v17;
	v15 =	vadd.s32 s31, v3;
	v18 =	vld [tilespmem:s16+$0x1930];
	v16 =	vand.u32 $0x6, v16  }
0x64: {  	v19 =	vand.u32 $0x3FF8, v19;
	v17 =	vor.u32 v16, v17;
	[tilespmem:v9+s26+$0x0] =	vst.idx.msk $0xffff, v11;
	v9 =	vadd.s32 s0, v4;
	v11 =	vld [tilespmem:s12+$0x0]  }
0x65: {  	v20 =	vadd.s32 s0, v5;
	[tilespmem:v10+s26+$0x0] =	vst.idx.msk $0xffff, v12;
	v9 =	vand.u32 $0x7FF8, v9;
	v10 =	vld [tilespmem:s12+$0x10];
	v12 =	vor.u32 v16, v19  }
0x66: {  	v20 =	vand.u32 $0xFFF8, v20;
	v19 =	vld [tilespmem:s16+$0x3200];
	v9 =	vor.u32 v8, v9  }
0x67: {  	[tilespmem:v13+s26+$0x0] =	vst.idx.msk $0xffff, v14;
	v14 =	vor.u32 v8, v20;
	v13 =	vld [tilespmem:s16+$0x3210]  }
0x68: {  	s30 =	simm.s32 $0x3;
	v20 =	vld [tilespmem:s12+$0x30];
	[tilespmem:v15+s26+$0x0] =	vst.idx.msk $0xffff, v18  }
0x69: {  	v15 =	vadd.s32 s30, v0;
	v18 =	vld [tilespmem:s12+$0x20];
	[tilespmem:v17+s26+$0x0] =	vst.idx.msk $0xffff, v11;
	v11 =	vadd.s32 s17, v2  }
0x6a: {  	v21 =	vadd.s32 s30, v1;
	v23 =	vld [tilespmem:s16+$0x3230];
	[tilespmem:v12+s26+$0x0] =	vst.idx.msk $0xffff, v10;
	v10 =	vand.u32 $0x7FF8, v11;
	v11 =	vadd.s32 s17, v3  }
0x6b: {  	[tilespmem:v9+s26+$0x0] =	vst.idx.msk $0xffff, v19;
	v12 =	vld [tilespmem:s12+$0x1900];
	v10 =	vor.u32 v16, v10;
	v11 =	vand.u32 $0x7FF8, v11  }
0x6c: {  	v9 =	vadd.s32 s0, v6;
	[tilespmem:v14+s26+$0x0] =	vst.idx.msk $0xffff, v13;
	v14 =	vld [tilespmem:s12+$0x1910];
	v11 =	vor.u32 v16, v11  }
0x6d: {  	v22 =	vadd.s32 s31, v4;
	v17 =	vld [tilespmem:s16+$0x3220];
	v9 =	vand.u32 $0x7FF8, v9;
	v13 =	vadd.s32 s0, v7  }
0x6e: {  	[tilespmem:v15+s26+$0x0] =	vst.idx.msk $0xffff, v18;
	v19 =	vld [tilespmem:s16+$0x4B00];
	v9 =	vor.u32 v8, v9;
	v13 =	vand.u32 $0xFFF8, v13  }
0x6f: {  	[tilespmem:v21+s26+$0x0] =	vst.idx.msk $0xffff, v20;
	v15 =	vld [tilespmem:s16+$0x4B10];
	v8 =	vor.u32 v8, v13  }
0x70: {  	v18 =	vadd.s32 s30, v2;
	v13 =	vld [tilespmem:s12+$0x1920];
	[tilespmem:v10+s26+$0x0] =	vst.idx.msk $0xffff, v12;
	v10 =	vadd.s32 s17, v4  }
0x71: {  	s15 =	simm.s32 $0x4;
	v20 =	vadd.s32 s30, v3;
	v21 =	vld [tilespmem:s12+$0x1930];
	[tilespmem:v11+s26+$0x0] =	vst.idx.msk $0xffff, v14;
	v10 =	vand.u32 $0x7FF8, v10  }
0x72: {  	v24 =	vmov s15;
	s1 =	simm.s32 $0x6C0;
	s0 =	simm.s32 $0x5;
	[tilespmem:v22+s26+$0x0] =	vst.idx.msk $0xffff, v17;
	v12 =	vadd.s32 s17, v5;
	v11 =	vld [tilespmem:s12+$0x3200];
	v10 =	vor.u32 v16, v10  }
0x73: {  	v25 =	vadd.s32 s15, v0;
	v17 =	vadd.s32 s0, v0;
	v12 =	vand.u32 $0xFFF8, v12;
	[tilespmem:v9+s26+$0x0] =	vst.idx.msk $0xffff, v19;
	v19 =	vld [tilespmem:s1+$0x20]  }
0x74: {  	v14 =	vand.u32 $0x1FF8, v25;
	v12 =	vor.u32 v16, v12;
	[tilespmem:v8+s26+$0x0] =	vst.idx.msk $0xffff, v15;
	v8 =	vand.u32 $0x6, v24;
	v15 =	vld [tilespmem:s12+$0x3210]  }
0x75: {  	v9 =	vadd.s32 s15, v1;
	[tilespmem:v18+s26+$0x0] =	vst.idx.msk $0xffff, v13;
	v13 =	vld [tilespmem:s1+$0x0];
	v14 =	vor.u32 v8, v14  }
0x76: {  	v9 =	vand.u32 $0x3FF8, v9;
	[tilespmem:v20+s26+$0x0] =	vst.idx.msk $0xffff, v21;
	v20 =	vld [tilespmem:s1+$0x30];
	v21 =	vadd.s32 s0, v1  }
0x77: {  	v18 =	vld [tilespmem:s1+$0x10];
	v9 =	vor.u32 v8, v9;
	[tilespmem:v10+s26+$0x0] =	vst.idx.msk $0xffff, v11  }
0x78: {  	v10 =	vadd.s32 s17, v6;
	[tilespmem:v17+s26+$0x0] =	vst.idx.msk $0xffff, v19  }
0x79: {  	v11 =	vadd.s32 s31, v5;
	[tilespmem:v12+s26+$0x0] =	vst.idx.msk $0xffff, v15;
	v10 =	vand.u32 $0x7FF8, v10;
	v12 =	vadd.s32 s17, v7  }
0x7a: {  	[tilespmem:v14+s26+$0x0] =	vst.idx.msk $0xffff, v13;
	v14 =	vld [tilespmem:s12+$0x4B00];
	v10 =	vor.u32 v16, v10;
	v12 =	vand.u32 $0xFFF8, v12  }
0x7b: {  	v13 =	vadd.s32 s15, v2;
	v15 =	vld [tilespmem:s12+$0x4B10];
	[tilespmem:v21+s26+$0x0] =	vst.idx.msk $0xffff, v20;
	v12 =	vor.u32 v16, v12  }
0x7c: {  	v19 =	vadd.s32 s0, v2;
	[tilespmem:v9+s26+$0x0] =	vst.idx.msk $0xffff, v18;
	v9 =	vand.u32 $0x7FF8, v13;
	v13 =	vadd.s32 s15, v3;
	v18 =	vld [tilespmem:s1+$0x1920]  }
0x7d: {  	v16 =	vld [tilespmem:s1+$0x1900];
	v9 =	vor.u32 v8, v9;
	v13 =	vand.u32 $0x7FF8, v13  }
0x7e: {  	v17 =	vld [tilespmem:s1+$0x1910];
	v13 =	vor.u32 v8, v13;
	[tilespmem:v11+s26+$0x0] =	vst.idx.msk $0xffff, v23  }
0x7f: {  	v22 =	vld [tilespmem:s12+$0x3220];
	[tilespmem:v10+s26+$0x0] =	vst.idx.msk $0xffff, v14  }
0x80: {  	v21 =	vadd.s32 s0, v3;
	v20 =	vld [tilespmem:s1+$0x1930];
	[tilespmem:v12+s26+$0x0] =	vst.idx.msk $0xffff, v15  }
0x81: {  	v62 =	vadd.s32 s30, v5;
	v26 =	vadd.s32 s31, v6;
	s17 =	simm.s32 $0x6;
	v23 =	vadd.s32 s30, v4;
	v63 =	vld [tilespmem:s16+$0x4B20];
	[tilespmem:v19+s26+$0x0] =	vst.idx.msk $0xffff, v18  }
0x82: {  	v10 =	vld [tilespmem:s16+$0x4B30];
	v19 =	vadd.s32 s17, v1;
	[tilespmem:v9+s26+$0x0] =	vst.idx.msk $0xffff, v16;
	v9 =	vadd.s32 s15, v4  }
0x83: {  	v12 =	vld [tilespmem:s12+$0x3230];
	v16 =	vmov s17;
	[tilespmem:v13+s26+$0x0] =	vst.idx.msk $0xffff, v17;
	v13 =	vadd.s32 s15, v5;
	v9 =	vand.u32 $0x7FF8, v9  }
0x84: {  	v17 =	vadd.s32 s17, v0;
	v11 =	vld [tilespmem:s1+$0x3200];
	v15 =	vor.u32 v8, v9;
	v13 =	vand.u32 $0xFFF8, v13  }
0x85: {  	s16 =	simm.s32 $0x700;
	[tilespmem:v21+s26+$0x0] =	vst.idx.msk $0xffff, v20;
	v14 =	vld [tilespmem:s1+$0x3210];
	v20 =	vand.u32 $0x1FF8, v17;
	v9 =	vand.u32 $0x6, v16;
	v16 =	vor.u32 v8, v13  }
0x86: {  	v18 =	vld [tilespmem:s16+$0x0];
	[tilespmem:v23+s26+$0x0] =	vst.idx.msk $0xffff, v22;
	v13 =	vand.u32 $0x3FF8, v19;
	v20 =	vor.u32 v9, v20  }
0x87: {  	s18 =	simm.s32 $0x7;
	v17 =	vld [tilespmem:s16+$0x10];
	[tilespmem:v26+s26+$0x0] =	vst.idx.msk $0xffff, v63;
	v19 =	vor.u32 v9, v13  }
0x88: {  	s19 =	simm.s32 $0x8;
	[tilespmem:v62+s26+$0x0] =	vst.idx.msk $0xffff, v12;
	v12 =	vadd.s32 s18, v0;
	v13 =	vld [tilespmem:s16+$0x20]  }
.LBB2_3:
0x89: {  	p1 =	slt.u32 s19, $0xC6;
	v21 =	vld [tilespmem:s16+$0x30];
	v22 =	vadd.s32 s18, v1;
	[tilespmem:v15+s26+$0x0] =	vst.idx.msk $0xffff, v11;
	v11 =	vadd.s32 s15, v6  }
0x8a: {  	v15 =	vadd.s32 s31, v7;
	s31 =	smov.u32 s30;
	s30 =	smov.u32 s0;
	s0 =	smov.u32 s18;
	[tilespmem:v16+s26+$0x0] =	vst.idx.msk $0xffff, v14;
	v11 =	vand.u32 $0x7FF8, v11;
	v14 =	vadd.s32 s15, v7;
	v23 =	vld [tilespmem:s1+$0x3220]  }
0x8b: {  	v16 =	vadd.s32 s17, v2;
	s15 =	smov.u32 s17;
	s17 =	smov.u32 s19;
	[tilespmem:v20+s26+$0x0] =	vst.idx.msk $0xffff, v18;
	v18 =	vld [tilespmem:s1+$0x4B00];
	v11 =	vor.u32 v8, v11;
	v14 =	vand.u32 $0xFFF8, v14  }
0x8c: {  	v16 =	vand.u32 $0x7FF8, v16;
	[tilespmem:v19+s26+$0x0] =	vst.idx.msk $0xffff, v17;
	v17 =	vadd.s32 s15, v3;
	v19 =	vld [tilespmem:s1+$0x4B10];
	v14 =	vor.u32 v8, v14;
	v8 =	vmovc v9  }
0x8d: {  	v9 =	vld [tilespmem:s16+$0x1900];
	v16 =	vor.u32 v8, v16;
	v17 =	vand.u32 $0x7FF8, v17;
	[tilespmem:v12+s26+$0x0] =	vst.idx.msk $0xffff, v13  }
0x8e: {  	v12 =	vld [tilespmem:s16+$0x1910];
	v13 =	vor.u32 v8, v17;
	[tilespmem:v22+s26+$0x0] =	vst.idx.msk $0xffff, v21  }
0x8f: {  	v20 =	vadd.s32 s0, v2;
	v17 =	vld [tilespmem:s16+$0x1920];
	[tilespmem:v15+s26+$0x0] =	vst.idx.msk $0xffff, v10  }
0x90: {  	v22 =	vadd.s32 s0, v3;
	v21 =	vld [tilespmem:s16+$0x1930];
	[tilespmem:v11+s26+$0x0] =	vst.idx.msk $0xffff, v18  }
0x91: {  	v25 =	vadd.s32 s31, v6;
	[tilespmem:v14+s26+$0x0] =	vst.idx.msk $0xffff, v19;
	v24 =	vld [tilespmem:s1+$0x3230];
	v19 =	vadd.s32 s30, v4  }
0x92: {  	v26 =	vadd.s32 s30, v5;
	v14 =	vadd.s32 s15, v5;
	[tilespmem:v16+s26+$0x0] =	vst.idx.msk $0xffff, v9;
	v9 =	vadd.s32 s15, v4;
	v27 =	vld [tilespmem:s12+$0x4B20]  }
0x93: {  	v18 =	vadd.s32 s19, v0;
	v16 =	vmov s19;
	[tilespmem:v13+s26+$0x0] =	vst.idx.msk $0xffff, v12;
	v9 =	vand.u32 $0x7FF8, v9;
	v10 =	vld [tilespmem:s12+$0x4B30];
	s12 =	smov.u32 s1;
	s1 =	smov.u32 s16  }
.Ltmp2:
0x94: {  	v12 =	vadd.s32 s19, v1;
	v13 =	vand.u32 $0xFFF8, v14;
	v11 =	vld [tilespmem:s16+$0x3200];
	v15 =	vor.u32 v8, v9;
	[tilespmem:v20+s26+$0x0] =	vst.idx.msk $0xffff, v17;
	(pc) =	sbr.rel @p1 .LBB2_3-.Ltmp2, $4  }
0x95: {  	v17 =	vand.u32 $0x1FF8, v18;
	v9 =	vand.u32 $0x6, v16;
	v16 =	vor.u32 v8, v13;
	s16 =	sadd.s32 $0x40, s16;
	v14 =	vld [tilespmem:s1+$0x3210];
	[tilespmem:v22+s26+$0x0] =	vst.idx.msk $0xffff, v21  }
0x96: {  	v12 =	vand.u32 $0x3FF8, v12;
	v20 =	vor.u32 v9, v17;
	v18 =	vld [tilespmem:s16+$0x0];
	[tilespmem:v19+s26+$0x0] =	vst.idx.msk $0xffff, v23  }
0x97: {  	s18 =	sadd.s32 $0x1, s19;
	v19 =	vor.u32 v9, v12;
	v17 =	vld [tilespmem:s16+$0x10];
	[tilespmem:v26+s26+$0x0] =	vst.idx.msk $0xffff, v24  }
0x98: {  	s19 =	sadd.s32 $0x2, s19;
	v12 =	vadd.s32 s18, v0;
	v13 =	vld [tilespmem:s16+$0x20];
	[tilespmem:v25+s26+$0x0] =	vst.idx.msk $0xffff, v27  }
0x99: {  	_ =	sdelay $0x3  }
0x9a: {  	v21 =	vld [tilespmem:s16+$0x30];
	v22 =	vadd.s32 s18, v1;
	[tilespmem:v20+s26+$0x0] =	vst.idx.msk $0xffff, v18;
	v18 =	vadd.s32 s17, v2  }
0x9b: {  	v20 =	vadd.s32 s31, v7;
	[tilespmem:v19+s26+$0x0] =	vst.idx.msk $0xffff, v17;
	v17 =	vand.u32 $0x7FF8, v18;
	v18 =	vadd.s32 s17, v3  }
0x9c: {  	[tilespmem:v15+s26+$0x0] =	vst.idx.msk $0xffff, v11;
	v11 =	vadd.s32 s15, v6;
	v15 =	vld [tilespmem:s16+$0x1900];
	v17 =	vor.u32 v9, v17;
	v18 =	vand.u32 $0x7FF8, v18  }
0x9d: {  	[tilespmem:v16+s26+$0x0] =	vst.idx.msk $0xffff, v14;
	v11 =	vand.u32 $0x7FF8, v11;
	v14 =	vadd.s32 s15, v7;
	v16 =	vld [tilespmem:s16+$0x1910];
	v18 =	vor.u32 v9, v18  }
0x9e: {  	v11 =	vor.u32 v8, v11;
	v14 =	vand.u32 $0xFFF8, v14;
	v19 =	vld [tilespmem:s1+$0x4B00];
	[tilespmem:v12+s26+$0x0] =	vst.idx.msk $0xffff, v13  }
0x9f: {  	v8 =	vor.u32 v8, v14;
	v12 =	vld [tilespmem:s1+$0x4B10];
	[tilespmem:v22+s26+$0x0] =	vst.idx.msk $0xffff, v21  }
0xa0: {  	v14 =	vadd.s32 s18, v2;
	v13 =	vld [tilespmem:s16+$0x1920];
	[tilespmem:v20+s26+$0x0] =	vst.idx.msk $0xffff, v10  }
0xa1: {  	v10 =	vld [tilespmem:s16+$0x1930];
	v20 =	vadd.s32 s18, v3;
	[tilespmem:v17+s26+$0x0] =	vst.idx.msk $0xffff, v15;
	v15 =	vadd.s32 s17, v4  }
0xa2: {  	v21 =	vadd.s32 s0, v4;
	v22 =	vadd.s32 s17, v5;
	v17 =	vld [tilespmem:s1+$0x3220];
	[tilespmem:v18+s26+$0x0] =	vst.idx.msk $0xffff, v16;
	v15 =	vand.u32 $0x7FF8, v15  }
0xa3: {  	[tilespmem:v11+s26+$0x0] =	vst.idx.msk $0xffff, v19;
	v16 =	vand.u32 $0xFFF8, v22;
	v11 =	vld [tilespmem:s16+$0x3200];
	v15 =	vor.u32 v9, v15  }
0xa4: {  	[tilespmem:v8+s26+$0x0] =	vst.idx.msk $0xffff, v12;
	v8 =	vld [tilespmem:s16+$0x3210];
	v12 =	vor.u32 v9, v16  }
0xa5: {  	v18 =	vadd.s32 s0, v5;
	v16 =	vld [tilespmem:s1+$0x3230];
	[tilespmem:v14+s26+$0x0] =	vst.idx.msk $0xffff, v13  }
0xa6: {  	v13 =	vadd.s32 s30, v6;
	v14 =	vld [tilespmem:s12+$0x4B20];
	[tilespmem:v20+s26+$0x0] =	vst.idx.msk $0xffff, v10  }
0xa7: {  	v10 =	vld [tilespmem:s16+$0x3220];
	[tilespmem:v21+s26+$0x0] =	vst.idx.msk $0xffff, v17;
	v17 =	vadd.s32 s18, v4  }
0xa8: {  	v19 =	vadd.s32 s18, v5;
	[tilespmem:v15+s26+$0x0] =	vst.idx.msk $0xffff, v11;
	v11 =	vadd.s32 s17, v6;
	v15 =	vld [tilespmem:s16+$0x3230]  }
0xa9: {  	v20 =	vld [tilespmem:s12+$0x4B30];
	[tilespmem:v12+s26+$0x0] =	vst.idx.msk $0xffff, v8;
	v8 =	vand.u32 $0x7FF8, v11;
	v11 =	vadd.s32 s17, v7;
	v12 =	vadd.s32 s30, v7  }
0xaa: {  	[tilespmem:v18+s26+$0x0] =	vst.idx.msk $0xffff, v16;
	v16 =	vld [tilespmem:s16+$0x4B00];
	v8 =	vor.u32 v9, v8;
	v11 =	vand.u32 $0xFFF8, v11  }
0xab: {  	[tilespmem:v13+s26+$0x0] =	vst.idx.msk $0xffff, v14;
	v13 =	vld [tilespmem:s16+$0x4B10];
	v9 =	vor.u32 v9, v11  }
0xac: {  	v14 =	vld [tilespmem:s1+$0x4B20];
	v11 =	vadd.s32 s0, v6;
	[tilespmem:v17+s26+$0x0] =	vst.idx.msk $0xffff, v10  }
0xad: {  	v10 =	vld [tilespmem:s1+$0x4B30];
	[tilespmem:v19+s26+$0x0] =	vst.idx.msk $0xffff, v15;
	v15 =	vadd.s32 s0, v7  }
0xae: {  	[tilespmem:v12+s26+$0x0] =	vst.idx.msk $0xffff, v20;
	v12 =	vadd.s32 s18, v6;
	v17 =	vld [tilespmem:s16+$0x4B20]  }
0xaf: {  	[tilespmem:v8+s26+$0x0] =	vst.idx.msk $0xffff, v16;
	v8 =	vld [tilespmem:s16+$0x4B30];
	v16 =	vadd.s32 s18, v7  }
0xb0: {  	s12 =	smul.u32 $0xC800, s7;
	[tilespmem:v9+s26+$0x0] =	vst.idx.msk $0xffff, v13  }
0xb1: {  	[tilespmem:v11+s26+$0x0] =	vst.idx.msk $0xffff, v14  }
0xb2: {  	s17 =	sadd.s32 s6, s12;
	[tilespmem:v15+s26+$0x0] =	vst.idx.msk $0xffff, v10  }
0xb3: {  	p1 =	seq.s32 s7, $0xF;
	s0 =	sshrl.u32 s17, $0x3;
	[tilespmem:v12+s26+$0x0] =	vst.idx.msk $0xffff, v17  }
0xb4: {  	s1 =	smul.u32 @!p1 $0x640, s7;
	s0 =	sadd.s32 s2, s0;
	[tilespmem:v16+s26+$0x0] =	vst.idx.msk $0xffff, v8  }
0xb5: {  	[hbm4b:s0+s3] =	stream.linear.scatter [tilespmem:s26], [sflag:$0x3], $0x6400, $0x38;
	[tilespmem:$0x19640] =	vst v63  }
0xb6: {  	s0 =	sadd.s32 @!p1 s1, s9  }
0xb7: {  	s0 =	sshrl.u32 @!p1 s0, $0x3  }
0xb8: {  	s1 =	simm.s32 @!p1 $0x0;
	s0 =	sadd.s32 @!p1 s4, s0  }
0xb9: {  	[tilespmem:s1], [sflag:$0x5] =	stream.linear.gather @!p1 [hbm4b:s0+s1], $0x320, $0x38;
	[tilespmem:$0x19640] =	vst v63  }
0xba: {  	s0 =	simm.s32 @!p1 $0x5  }
0xbb: {  	_ =	swait.ge @!p1 [sflag:s0], $0x320  }
0xbc: {  	[sflag:s0] =	ssyncset.done @!p1 $0x0  }
0xbd: {  	s15 =	simm.s32 @!p1 $0x640;
	[sflag:s0] =	ssyncadd.s32 @!p1 $0xFFFFFCE0;
	s0 =	simm.s32 @!p1 $0x80  }
0xbe: {  	[tilespmem:s15], [sflag:$0x1] =	stream.indirect.gather @!p1 [hbm4b:s5+s0], $0x20, s1, s0, $0xb8;
	[tilespmem:$0x19640] =	vst v63  }
0xbf: {  	s1 =	simm.s32 @!p1 $0x1640  }
0xc0: {  	[tilespmem:s1], [sflag:$0x1] =	stream.indirect.gather @!p1 [hbm4b:s5+s0], $0x20, s0, s0, $0xb8;
	[tilespmem:$0x19640] =	vst v63  }
0xc1: {  	s15 =	simm.s32 @!p1 $0x2640;
	s1 =	simm.s32 @!p1 $0x100  }
0xc2: {  	[tilespmem:s15], [sflag:$0x1] =	stream.indirect.gather @!p1 [hbm4b:s5+s0], $0x20, s1, s0, $0xb8;
	[tilespmem:$0x19640] =	vst v63  }
0xc3: {  	s1 =	simm.s32 @!p1 $0x180;
	s15 =	simm.s32 @!p1 $0x3640  }
0xc4: {  	[tilespmem:s15], [sflag:$0x1] =	stream.indirect.gather @!p1 [hbm4b:s5+s0], $0x20, s1, s0, $0xb8;
	[tilespmem:$0x19640] =	vst v63  }
0xc5: {  	s1 =	simm.s32 @!p1 $0x200;
	s15 =	simm.s32 @!p1 $0x4640  }
0xc6: {  	[tilespmem:s15], [sflag:$0x1] =	stream.indirect.gather @!p1 [hbm4b:s5+s0], $0x20, s1, s0, $0xb8;
	[tilespmem:$0x19640] =	vst v63  }
0xc7: {  	s1 =	simm.s32 @!p1 $0x280;
	s15 =	simm.s32 @!p1 $0x5640  }
0xc8: {  	[tilespmem:s15], [sflag:$0x1] =	stream.indirect.gather @!p1 [hbm4b:s5+s0], $0x20, s1, s0, $0xb8;
	[tilespmem:$0x19640] =	vst v63  }
0xc9: {  	s0 =	simm.s32 @!p1 $0x20;
	s1 =	simm.s32 @!p1 $0x300;
	s15 =	simm.s32 @!p1 $0x6640  }
0xca: {  	[tilespmem:s15], [sflag:$0x1] =	stream.indirect.gather @!p1 [hbm4b:s5+s0], $0x20, s1, s0, $0xb8;
	[tilespmem:$0x19640] =	vst v63  }
0xcb: {  	_ =	swait.ge [sflag:s28], $0x1000  }
0xcc: {  	[sflag:s28] =	ssyncset.done $0x0  }
0xcd: {  	[sflag:s28] =	ssyncadd.s32 $0xFFFFF000  }
0xce: {  	_ =	swait.ge [sflag:s28], $0x1000  }
0xcf: {  	[sflag:s28] =	ssyncset.done $0x0  }
0xd0: {  	[sflag:s28] =	ssyncadd.s32 $0xFFFFF000  }
0xd1: {  	_ =	swait.ge [sflag:s28], $0x1000  }
0xd2: {  	[sflag:s28] =	ssyncset.done $0x0  }
0xd3: {  	[sflag:s28] =	ssyncadd.s32 $0xFFFFF000  }
0xd4: {  	_ =	swait.ge [sflag:s28], $0x1000  }
0xd5: {  	[sflag:s28] =	ssyncset.done $0x0  }
0xd6: {  	[sflag:s28] =	ssyncadd.s32 $0xFFFFF000  }
0xd7: {  	_ =	swait.ge [sflag:s28], $0x1000  }
0xd8: {  	[sflag:s28] =	ssyncset.done $0x0  }
0xd9: {  	[sflag:s28] =	ssyncadd.s32 $0xFFFFF000  }
0xda: {  	_ =	swait.ge [sflag:s28], $0x1000  }
0xdb: {  	[sflag:s28] =	ssyncset.done $0x0  }
0xdc: {  	[sflag:s28] =	ssyncadd.s32 $0xFFFFF000  }
0xdd: {  	_ =	swait.ge [sflag:s28], $0x400  }
0xde: {  	[sflag:s28] =	ssyncset.done $0x0  }
0xdf: {  	s1 =	simm.s32 @!p0 $0x4;
	[sflag:s28] =	ssyncadd.s32 $0xFFFFFC00  }
0xe0: {  	s18 =	simm.s32 $0x0;
	_ =	swait.ge @!p0 [sflag:s1], $0x6400  }
0xe1: {  	v9 =	vadd.s32 s18, v0;
	v8 =	vmov s18;
	[sflag:s1] =	ssyncset.done @!p0 $0x0  }
0xe2: {  	s19 =	simm.s32 $0x6A40;
	v9 =	vand.u32 $0x1FF8, v9;
	v10 =	vadd.s32 s18, v1;
	v8 =	vand.u32 $0x6, v8;
	[sflag:s1] =	ssyncadd.s32 @!p0 $0xFFFF9C00  }
0xe3: {  	v10 =	vand.u32 $0x3FF8, v10;
	v9 =	vor.u32 v8, v9;
	v11 =	vld [tilespmem:s19+$0x0]  }
0xe4: {  	v10 =	vor.u32 v8, v10;
	v12 =	vld [tilespmem:s19+$0x10]  }
0xe5: {  	s1 =	simm.s32 $0x1  }
0xe6: {  	v13 =	vadd.s32 s1, v0;
	v14 =	vld [tilespmem:s19+$0x20]  }
0xe7: {  	v15 =	vld [tilespmem:s19+$0x30];
	v16 =	vadd.s32 s1, v1  }
0xe8: {  	[tilespmem:v9+s8+$0x0] =	vst.idx.msk $0xffff, v11;
	v9 =	vadd.s32 s18, v2  }
0xe9: {  	[tilespmem:v10+s8+$0x0] =	vst.idx.msk $0xffff, v12;
	v9 =	vand.u32 $0x7FF8, v9;
	v10 =	vadd.s32 s18, v3  }
0xea: {  	v11 =	vld [tilespmem:s19+$0x1900];
	v9 =	vor.u32 v8, v9;
	v10 =	vand.u32 $0x7FF8, v10  }
0xeb: {  	s20 =	simm.s32 $0x2;
	[tilespmem:v13+s8+$0x0] =	vst.idx.msk $0xffff, v14;
	v12 =	vld [tilespmem:s19+$0x1910];
	v10 =	vor.u32 v8, v10  }
0xec: {  	v19 =	vadd.s32 s20, v1;
	[tilespmem:v16+s8+$0x0] =	vst.idx.msk $0xffff, v15  }
0xed: {  	v17 =	vadd.s32 s20, v0;
	v13 =	vadd.s32 s1, v2;
	v16 =	vmov s20;
	v14 =	vld [tilespmem:s19+$0x1920]  }
0xee: {  	s30 =	simm.s32 $0x6A80;
	v17 =	vand.u32 $0x1FF8, v17;
	v15 =	vadd.s32 s1, v3;
	v18 =	vld [tilespmem:s19+$0x1930];
	v16 =	vand.u32 $0x6, v16  }
0xef: {  	v19 =	vand.u32 $0x3FF8, v19;
	v17 =	vor.u32 v16, v17;
	[tilespmem:v9+s8+$0x0] =	vst.idx.msk $0xffff, v11;
	v9 =	vadd.s32 s18, v4;
	v11 =	vld [tilespmem:s30+$0x0]  }
0xf0: {  	v20 =	vadd.s32 s18, v5;
	[tilespmem:v10+s8+$0x0] =	vst.idx.msk $0xffff, v12;
	v9 =	vand.u32 $0x7FF8, v9;
	v10 =	vld [tilespmem:s30+$0x10];
	v12 =	vor.u32 v16, v19  }
0xf1: {  	v20 =	vand.u32 $0xFFF8, v20;
	v19 =	vld [tilespmem:s19+$0x3200];
	v9 =	vor.u32 v8, v9  }
0xf2: {  	[tilespmem:v13+s8+$0x0] =	vst.idx.msk $0xffff, v14;
	v14 =	vor.u32 v8, v20;
	v13 =	vld [tilespmem:s19+$0x3210]  }
0xf3: {  	s31 =	simm.s32 $0x3;
	v20 =	vld [tilespmem:s30+$0x30];
	[tilespmem:v15+s8+$0x0] =	vst.idx.msk $0xffff, v18  }
0xf4: {  	v15 =	vadd.s32 s31, v0;
	v18 =	vld [tilespmem:s30+$0x20];
	[tilespmem:v17+s8+$0x0] =	vst.idx.msk $0xffff, v11;
	v11 =	vadd.s32 s20, v2  }
0xf5: {  	v21 =	vadd.s32 s31, v1;
	v23 =	vld [tilespmem:s19+$0x3230];
	[tilespmem:v12+s8+$0x0] =	vst.idx.msk $0xffff, v10;
	v10 =	vand.u32 $0x7FF8, v11;
	v11 =	vadd.s32 s20, v3  }
0xf6: {  	[tilespmem:v9+s8+$0x0] =	vst.idx.msk $0xffff, v19;
	v12 =	vld [tilespmem:s30+$0x1900];
	v10 =	vor.u32 v16, v10;
	v11 =	vand.u32 $0x7FF8, v11  }
0xf7: {  	v9 =	vadd.s32 s18, v6;
	[tilespmem:v14+s8+$0x0] =	vst.idx.msk $0xffff, v13;
	v14 =	vld [tilespmem:s30+$0x1910];
	v11 =	vor.u32 v16, v11  }
0xf8: {  	v22 =	vadd.s32 s1, v4;
	v17 =	vld [tilespmem:s19+$0x3220];
	v9 =	vand.u32 $0x7FF8, v9;
	v13 =	vadd.s32 s18, v7  }
0xf9: {  	[tilespmem:v15+s8+$0x0] =	vst.idx.msk $0xffff, v18;
	v19 =	vld [tilespmem:s19+$0x4B00];
	v9 =	vor.u32 v8, v9;
	v13 =	vand.u32 $0xFFF8, v13  }
0xfa: {  	[tilespmem:v21+s8+$0x0] =	vst.idx.msk $0xffff, v20;
	v15 =	vld [tilespmem:s19+$0x4B10];
	v8 =	vor.u32 v8, v13  }
0xfb: {  	v18 =	vadd.s32 s31, v2;
	v13 =	vld [tilespmem:s30+$0x1920];
	[tilespmem:v10+s8+$0x0] =	vst.idx.msk $0xffff, v12;
	v10 =	vadd.s32 s20, v4  }
0xfc: {  	s16 =	simm.s32 $0x4;
	v20 =	vadd.s32 s31, v3;
	v21 =	vld [tilespmem:s30+$0x1930];
	[tilespmem:v11+s8+$0x0] =	vst.idx.msk $0xffff, v14;
	v10 =	vand.u32 $0x7FF8, v10  }
0xfd: {  	v24 =	vmov s16;
	s0 =	simm.s32 $0x6AC0;
	s15 =	simm.s32 $0x5;
	[tilespmem:v22+s8+$0x0] =	vst.idx.msk $0xffff, v17;
	v12 =	vadd.s32 s20, v5;
	v11 =	vld [tilespmem:s30+$0x3200];
	v10 =	vor.u32 v16, v10  }
0xfe: {  	v25 =	vadd.s32 s16, v0;
	v17 =	vadd.s32 s15, v0;
	v12 =	vand.u32 $0xFFF8, v12;
	[tilespmem:v9+s8+$0x0] =	vst.idx.msk $0xffff, v19;
	v19 =	vld [tilespmem:s0+$0x20]  }
0xff: {  	v14 =	vand.u32 $0x1FF8, v25;
	v12 =	vor.u32 v16, v12;
	[tilespmem:v8+s8+$0x0] =	vst.idx.msk $0xffff, v15;
	v8 =	vand.u32 $0x6, v24;
	v15 =	vld [tilespmem:s30+$0x3210]  }
0x100: {  	v9 =	vadd.s32 s16, v1;
	[tilespmem:v18+s8+$0x0] =	vst.idx.msk $0xffff, v13;
	v13 =	vld [tilespmem:s0+$0x0];
	v14 =	vor.u32 v8, v14  }
0x101: {  	v9 =	vand.u32 $0x3FF8, v9;
	[tilespmem:v20+s8+$0x0] =	vst.idx.msk $0xffff, v21;
	v20 =	vld [tilespmem:s0+$0x30];
	v21 =	vadd.s32 s15, v1  }
0x102: {  	v18 =	vld [tilespmem:s0+$0x10];
	v9 =	vor.u32 v8, v9;
	[tilespmem:v10+s8+$0x0] =	vst.idx.msk $0xffff, v11  }
0x103: {  	v10 =	vadd.s32 s20, v6;
	[tilespmem:v17+s8+$0x0] =	vst.idx.msk $0xffff, v19  }
0x104: {  	v11 =	vadd.s32 s1, v5;
	[tilespmem:v12+s8+$0x0] =	vst.idx.msk $0xffff, v15;
	v10 =	vand.u32 $0x7FF8, v10;
	v12 =	vadd.s32 s20, v7  }
0x105: {  	[tilespmem:v14+s8+$0x0] =	vst.idx.msk $0xffff, v13;
	v14 =	vld [tilespmem:s30+$0x4B00];
	v10 =	vor.u32 v16, v10;
	v12 =	vand.u32 $0xFFF8, v12  }
0x106: {  	v13 =	vadd.s32 s16, v2;
	v15 =	vld [tilespmem:s30+$0x4B10];
	[tilespmem:v21+s8+$0x0] =	vst.idx.msk $0xffff, v20;
	v12 =	vor.u32 v16, v12  }
0x107: {  	v19 =	vadd.s32 s15, v2;
	[tilespmem:v9+s8+$0x0] =	vst.idx.msk $0xffff, v18;
	v9 =	vand.u32 $0x7FF8, v13;
	v13 =	vadd.s32 s16, v3;
	v18 =	vld [tilespmem:s0+$0x1920]  }
0x108: {  	v16 =	vld [tilespmem:s0+$0x1900];
	v9 =	vor.u32 v8, v9;
	v13 =	vand.u32 $0x7FF8, v13  }
0x109: {  	v17 =	vld [tilespmem:s0+$0x1910];
	v13 =	vor.u32 v8, v13;
	[tilespmem:v11+s8+$0x0] =	vst.idx.msk $0xffff, v23  }
0x10a: {  	v22 =	vld [tilespmem:s30+$0x3220];
	[tilespmem:v10+s8+$0x0] =	vst.idx.msk $0xffff, v14  }
0x10b: {  	v21 =	vadd.s32 s15, v3;
	v20 =	vld [tilespmem:s0+$0x1930];
	[tilespmem:v12+s8+$0x0] =	vst.idx.msk $0xffff, v15  }
0x10c: {  	v62 =	vadd.s32 s31, v5;
	v26 =	vadd.s32 s1, v6;
	s18 =	simm.s32 $0x6;
	v23 =	vadd.s32 s31, v4;
	v63 =	vld [tilespmem:s19+$0x4B20];
	[tilespmem:v19+s8+$0x0] =	vst.idx.msk $0xffff, v18  }
0x10d: {  	v10 =	vld [tilespmem:s19+$0x4B30];
	v19 =	vadd.s32 s18, v1;
	[tilespmem:v9+s8+$0x0] =	vst.idx.msk $0xffff, v16;
	v9 =	vadd.s32 s16, v4  }
0x10e: {  	v12 =	vld [tilespmem:s30+$0x3230];
	v16 =	vmov s18;
	[tilespmem:v13+s8+$0x0] =	vst.idx.msk $0xffff, v17;
	v13 =	vadd.s32 s16, v5;
	v9 =	vand.u32 $0x7FF8, v9  }
0x10f: {  	v17 =	vadd.s32 s18, v0;
	v11 =	vld [tilespmem:s0+$0x3200];
	v15 =	vor.u32 v8, v9;
	v13 =	vand.u32 $0xFFF8, v13  }
0x110: {  	s17 =	simm.s32 $0x6B00;
	[tilespmem:v21+s8+$0x0] =	vst.idx.msk $0xffff, v20;
	v14 =	vld [tilespmem:s0+$0x3210];
	v20 =	vand.u32 $0x1FF8, v17;
	v9 =	vand.u32 $0x6, v16;
	v16 =	vor.u32 v8, v13  }
0x111: {  	v18 =	vld [tilespmem:s17+$0x0];
	[tilespmem:v23+s8+$0x0] =	vst.idx.msk $0xffff, v22;
	v13 =	vand.u32 $0x3FF8, v19;
	v20 =	vor.u32 v9, v20  }
0x112: {  	s19 =	simm.s32 $0x7;
	v17 =	vld [tilespmem:s17+$0x10];
	[tilespmem:v26+s8+$0x0] =	vst.idx.msk $0xffff, v63;
	v19 =	vor.u32 v9, v13  }
0x113: {  	s20 =	simm.s32 $0x8;
	[tilespmem:v62+s8+$0x0] =	vst.idx.msk $0xffff, v12;
	v12 =	vadd.s32 s19, v0;
	v13 =	vld [tilespmem:s17+$0x20]  }
.LBB2_5:
0x114: {  	p0 =	slt.u32 s20, $0xC6;
	v21 =	vld [tilespmem:s17+$0x30];
	v22 =	vadd.s32 s19, v1;
	[tilespmem:v15+s8+$0x0] =	vst.idx.msk $0xffff, v11;
	v11 =	vadd.s32 s16, v6  }
0x115: {  	v15 =	vadd.s32 s1, v7;
	s1 =	smov.u32 s31;
	s31 =	smov.u32 s15;
	s15 =	smov.u32 s19;
	[tilespmem:v16+s8+$0x0] =	vst.idx.msk $0xffff, v14;
	v11 =	vand.u32 $0x7FF8, v11;
	v14 =	vadd.s32 s16, v7;
	v23 =	vld [tilespmem:s0+$0x3220]  }
0x116: {  	v16 =	vadd.s32 s18, v2;
	s16 =	smov.u32 s18;
	s18 =	smov.u32 s20;
	[tilespmem:v20+s8+$0x0] =	vst.idx.msk $0xffff, v18;
	v18 =	vld [tilespmem:s0+$0x4B00];
	v11 =	vor.u32 v8, v11;
	v14 =	vand.u32 $0xFFF8, v14  }
0x117: {  	v16 =	vand.u32 $0x7FF8, v16;
	[tilespmem:v19+s8+$0x0] =	vst.idx.msk $0xffff, v17;
	v17 =	vadd.s32 s16, v3;
	v19 =	vld [tilespmem:s0+$0x4B10];
	v14 =	vor.u32 v8, v14;
	v8 =	vmovc v9  }
0x118: {  	v9 =	vld [tilespmem:s17+$0x1900];
	v16 =	vor.u32 v8, v16;
	v17 =	vand.u32 $0x7FF8, v17;
	[tilespmem:v12+s8+$0x0] =	vst.idx.msk $0xffff, v13  }
0x119: {  	v12 =	vld [tilespmem:s17+$0x1910];
	v13 =	vor.u32 v8, v17;
	[tilespmem:v22+s8+$0x0] =	vst.idx.msk $0xffff, v21  }
0x11a: {  	v20 =	vadd.s32 s15, v2;
	v17 =	vld [tilespmem:s17+$0x1920];
	[tilespmem:v15+s8+$0x0] =	vst.idx.msk $0xffff, v10  }
0x11b: {  	v22 =	vadd.s32 s15, v3;
	v21 =	vld [tilespmem:s17+$0x1930];
	[tilespmem:v11+s8+$0x0] =	vst.idx.msk $0xffff, v18  }
0x11c: {  	v25 =	vadd.s32 s1, v6;
	[tilespmem:v14+s8+$0x0] =	vst.idx.msk $0xffff, v19;
	v24 =	vld [tilespmem:s0+$0x3230];
	v19 =	vadd.s32 s31, v4  }
0x11d: {  	v26 =	vadd.s32 s31, v5;
	v14 =	vadd.s32 s16, v5;
	[tilespmem:v16+s8+$0x0] =	vst.idx.msk $0xffff, v9;
	v9 =	vadd.s32 s16, v4;
	v27 =	vld [tilespmem:s30+$0x4B20]  }
0x11e: {  	v18 =	vadd.s32 s20, v0;
	v16 =	vmov s20;
	[tilespmem:v13+s8+$0x0] =	vst.idx.msk $0xffff, v12;
	v9 =	vand.u32 $0x7FF8, v9;
	v10 =	vld [tilespmem:s30+$0x4B30];
	s30 =	smov.u32 s0;
	s0 =	smov.u32 s17  }
.Ltmp3:
0x11f: {  	v12 =	vadd.s32 s20, v1;
	v13 =	vand.u32 $0xFFF8, v14;
	v11 =	vld [tilespmem:s17+$0x3200];
	v15 =	vor.u32 v8, v9;
	[tilespmem:v20+s8+$0x0] =	vst.idx.msk $0xffff, v17;
	(pc) =	sbr.rel @p0 .LBB2_5-.Ltmp3, $4  }
0x120: {  	v17 =	vand.u32 $0x1FF8, v18;
	v9 =	vand.u32 $0x6, v16;
	v16 =	vor.u32 v8, v13;
	s17 =	sadd.s32 $0x40, s17;
	v14 =	vld [tilespmem:s0+$0x3210];
	[tilespmem:v22+s8+$0x0] =	vst.idx.msk $0xffff, v21  }
0x121: {  	v12 =	vand.u32 $0x3FF8, v12;
	v20 =	vor.u32 v9, v17;
	v18 =	vld [tilespmem:s17+$0x0];
	[tilespmem:v19+s8+$0x0] =	vst.idx.msk $0xffff, v23  }
0x122: {  	s19 =	sadd.s32 $0x1, s20;
	v19 =	vor.u32 v9, v12;
	v17 =	vld [tilespmem:s17+$0x10];
	[tilespmem:v26+s8+$0x0] =	vst.idx.msk $0xffff, v24  }
0x123: {  	s20 =	sadd.s32 $0x2, s20;
	v12 =	vadd.s32 s19, v0;
	v13 =	vld [tilespmem:s17+$0x20];
	[tilespmem:v25+s8+$0x0] =	vst.idx.msk $0xffff, v27  }
0x124: {  	_ =	sdelay $0x3  }
0x125: {  	v21 =	vld [tilespmem:s17+$0x30];
	v22 =	vadd.s32 s19, v1;
	v24 =	vadd.s32 s18, v2;
	[tilespmem:v20+s8+$0x0] =	vst.idx.msk $0xffff, v18  }
0x126: {  	v25 =	vadd.s32 s1, v7;
	v27 =	vadd.s32 s18, v3;
	v26 =	vand.u32 $0x7FF8, v24;
	[tilespmem:v19+s8+$0x0] =	vst.idx.msk $0xffff, v17  }
0x127: {  	[tilespmem:v15+s8+$0x0] =	vst.idx.msk $0xffff, v11;
	v28 =	vadd.s32 s16, v6;
	v18 =	vand.u32 $0x7FF8, v27;
	v17 =	vor.u32 v9, v26;
	v29 =	vld [tilespmem:s17+$0x1900]  }
0x128: {  	v30 =	vadd.s32 s16, v7;
	[tilespmem:v16+s8+$0x0] =	vst.idx.msk $0xffff, v14;
	v11 =	vand.u32 $0x7FF8, v28;
	v18 =	vor.u32 v9, v18;
	v31 =	vld [tilespmem:s17+$0x1910]  }
0x129: {  	v14 =	vand.u32 $0xFFF8, v30;
	v32 =	vld [tilespmem:s0+$0x4B00];
	v11 =	vor.u32 v8, v11;
	[tilespmem:v12+s8+$0x0] =	vst.idx.msk $0xffff, v13  }
0x12a: {  	v33 =	vld [tilespmem:s0+$0x4B10];
	v8 =	vor.u32 v8, v14;
	[tilespmem:v22+s8+$0x0] =	vst.idx.msk $0xffff, v21  }
0x12b: {  	v34 =	vadd.s32 s19, v2;
	[tilespmem:v25+s8+$0x0] =	vst.idx.msk $0xffff, v10;
	v13 =	vld [tilespmem:s17+$0x1920]  }
0x12c: {  	v36 =	vadd.s32 s19, v3;
	v37 =	vadd.s32 s18, v4;
	v35 =	vld [tilespmem:s17+$0x1930];
	[tilespmem:v17+s8+$0x0] =	vst.idx.msk $0xffff, v29  }
0x12d: {  	v38 =	vld [tilespmem:s0+$0x3220];
	v39 =	vadd.s32 s15, v4;
	v40 =	vadd.s32 s18, v5;
	v15 =	vand.u32 $0x7FF8, v37;
	[tilespmem:v18+s8+$0x0] =	vst.idx.msk $0xffff, v31  }
0x12e: {  	v42 =	vand.u32 $0xFFF8, v40;
	v15 =	vor.u32 v9, v15;
	[tilespmem:v11+s8+$0x0] =	vst.idx.msk $0xffff, v32;
	v41 =	vld [tilespmem:s17+$0x3200]  }
0x12f: {  	v43 =	vor.u32 v9, v42;
	[tilespmem:v8+s8+$0x0] =	vst.idx.msk $0xffff, v33;
	v8 =	vld [tilespmem:s17+$0x3210]  }
0x130: {  	v44 =	vld [tilespmem:s0+$0x3230];
	v45 =	vadd.s32 s15, v5;
	[tilespmem:v34+s8+$0x0] =	vst.idx.msk $0xffff, v13  }
0x131: {  	v46 =	vadd.s32 s31, v6;
	v47 =	vld [tilespmem:s30+$0x4B20];
	[tilespmem:v36+s8+$0x0] =	vst.idx.msk $0xffff, v35  }
0x132: {  	v48 =	vadd.s32 s19, v4;
	[tilespmem:v39+s8+$0x0] =	vst.idx.msk $0xffff, v38;
	v10 =	vld [tilespmem:s17+$0x3220]  }
0x133: {  	v49 =	vadd.s32 s18, v6;
	v51 =	vadd.s32 s19, v5;
	v50 =	vld [tilespmem:s17+$0x3230];
	[tilespmem:v15+s8+$0x0] =	vst.idx.msk $0xffff, v41  }
0x134: {  	v52 =	vld [tilespmem:s30+$0x4B30];
	v54 =	vadd.s32 s31, v7;
	[tilespmem:v43+s8+$0x0] =	vst.idx.msk $0xffff, v8;
	v8 =	vand.u32 $0x7FF8, v49  }
0x135: {  	[tilespmem:v45+s8+$0x0] =	vst.idx.msk $0xffff, v44;
	v55 =	vld [tilespmem:s17+$0x4B00];
	v8 =	vor.u32 v9, v8  }
0x136: {  	v53 =	vadd.s32 s18, v7;
	v58 =	vadd.s32 s15, v6;
	[tilespmem:v46+s8+$0x0] =	vst.idx.msk $0xffff, v47;
	v59 =	vld [tilespmem:s0+$0x4B20]  }
0x137: {  	v61 =	vadd.s32 s15, v7;
	v11 =	vand.u32 $0xFFF8, v53;
	v60 =	vld [tilespmem:s0+$0x4B30];
	[tilespmem:v48+s8+$0x0] =	vst.idx.msk $0xffff, v10  }
0x138: {  	v57 =	vor.u32 v9, v11;
	v56 =	vld [tilespmem:s17+$0x4B10];
	[tilespmem:v51+s8+$0x0] =	vst.idx.msk $0xffff, v50  }
0x139: {  	v62 =	vadd.s32 s19, v6;
	[tilespmem:v54+s8+$0x0] =	vst.idx.msk $0xffff, v52;
	v17 =	vld [tilespmem:s17+$0x4B20]  }
0x13a: {  	v63 =	vadd.s32 s19, v7;
	[tilespmem:v8+s8+$0x0] =	vst.idx.msk $0xffff, v55;
	v8 =	vld [tilespmem:s17+$0x4B30]  }
0x13b: {  	[tilespmem:v58+s8+$0x0] =	vst.idx.msk $0xffff, v59  }
.Ltmp4:
0x13c: {  	[tilespmem:v61+s8+$0x0] =	vst.idx.msk $0xffff, v60;
	(pc) =	sbr.rel @p1 .LBB2_8-.Ltmp4, $4  }
0x13d: {  	s31 =	sadd.s32 s12, s10;
	[tilespmem:v57+s8+$0x0] =	vst.idx.msk $0xffff, v56  }
0x13e: {  	s0 =	sshrl.u32 s31, $0x3;
	[tilespmem:v62+s8+$0x0] =	vst.idx.msk $0xffff, v17  }
0x13f: {  	s0 =	sadd.s32 s2, s0;
	[tilespmem:v63+s8+$0x0] =	vst.idx.msk $0xffff, v8  }
0x140: {  	[hbm4b:s0+s3] =	stream.linear.scatter [tilespmem:s8], [sflag:$0x4], $0x6400, $0x38;
	[tilespmem:$0x19640] =	vst v63  }
0x141: {  	s0 =	smul.u32 $0x640, s7;
	_ =	sdelay $0x1  }
0x142: {  	s0 =	sadd.s32 s0, s11  }
0x143: {  	s0 =	sshrl.u32 s0, $0x3  }
0x144: {  	s0 =	sadd.s32 s4, s0  }
0x145: {  	[tilespmem:s29], [sflag:$0x5] =	stream.linear.gather [hbm4b:s0+s3], $0x320, $0x38;
	[tilespmem:$0x19640] =	vst v63  }
0x146: {  	_ =	swait.ge [sflag:s13], $0x320  }
0x147: {  	[sflag:s13] =	ssyncset.done $0x0  }
0x148: {  	s12 =	simm.s32 $0x6A40;
	[sflag:s13] =	ssyncadd.s32 $0xFFFFFCE0  }
0x149: {  	[tilespmem:s12], [sflag:$0x2] =	stream.indirect.gather [hbm4b:s5+s14], $0x20, s29, s14, $0xb8;
	[tilespmem:$0x19640] =	vst v63  }
0x14a: {  	s15 =	simm.s32 $0x3A0;
	s1 =	simm.s32 $0x7A40  }
0x14b: {  	[tilespmem:s1], [sflag:$0x2] =	stream.indirect.gather [hbm4b:s5+s14], $0x20, s15, s14, $0xb8;
	[tilespmem:$0x19640] =	vst v63  }
0x14c: {  	s16 =	simm.s32 $0x420;
	s17 =	simm.s32 $0x8A40  }
0x14d: {  	[tilespmem:s17], [sflag:$0x2] =	stream.indirect.gather [hbm4b:s5+s14], $0x20, s16, s14, $0xb8;
	[tilespmem:$0x19640] =	vst v63  }
0x14e: {  	s18 =	simm.s32 $0x4A0;
	s19 =	simm.s32 $0x9A40  }
0x14f: {  	[tilespmem:s19], [sflag:$0x2] =	stream.indirect.gather [hbm4b:s5+s14], $0x20, s18, s14, $0xb8;
	[tilespmem:$0x19640] =	vst v63  }
0x150: {  	s20 =	simm.s32 $0x520;
	s30 =	simm.s32 $0xAA40  }
0x151: {  	[tilespmem:s30], [sflag:$0x2] =	stream.indirect.gather [hbm4b:s5+s14], $0x20, s20, s14, $0xb8;
	[tilespmem:$0x19640] =	vst v63  }
.Ltmp5:
0x152: {  	_ = 	snop;
	(pc) =	sbr.rel .LBB2_2-.Ltmp5, $4  }
0x153: {  	s31 =	simm.s32 $0x5A0  }
0x154: {  	[tilespmem:s21], [sflag:$0x2] =	stream.indirect.gather [hbm4b:s5+s14], $0x20, s31, s14, $0xb8;
	[tilespmem:$0x19640] =	vst v63  }
0x155: {  	s7 =	sadd.s32 $0x1, s7  }
0x156: {  	[tilespmem:s23], [sflag:$0x2] =	stream.indirect.gather [hbm4b:s5+s25], $0x20, s22, s25, $0xb8;
	[tilespmem:$0x19640] =	vst v63  }
.LBB2_9:
0x157: {  	_ =	sfence.sel $0x180000  }
0x158: {  	[bflag:$0x0] =	sbarrier.arrive $0xFFFF  }
0x159: {  	_ =	strace $0x90000047  }
0x15a: {  	s0 =	stileid.u32;
	[bflag:$0x2] =	sbarrier.arrive $0xFFFF  }
0x15b: {  	p0 =	sne.s32 s0, $0x0;
	s0 =	rddreg [dreg:$0x2]  }
0x15c: {  	s0 =	sadd.s32 @!p0 $0x100000, s0  }
0x15d: {  	[sflag:s0] =	ssyncadd.tile.s32 @!p0 $0x1;
	_ =	shalt  }
.Lfunc_end2:
_tile_overlayer_lowered:
.L_overlay_start_2:
0x15e: {  	(tag) =	ssettag $0x2  }
0x15f: {  	s0 =	rddreg [dreg:$0x0];
	s2 =	stileid.u32  }
0x160: {  	s1 =	rddreg [dreg:$0x1];
	p0 =	sne.s32 s2, $0x0  }
0x161: {  	s3 =	rddreg [dreg:$0x2];
	[bflag:$0x3] =	sbarrier.arrive $0xFFFF;
	s2 =	simm.s32 @!p0 $0x1C05  }
0x162: {  	[timem:s3], [sflag:s2] =	dma.local @!p0 [hbm:s0], s1  }
0x163: {  	s0 =	simm.s32 @!p0 $0x5  }
0x164: {  	_ =	swait.ge @!p0 [sflag:s0], s1  }
0x165: {  	s1 =	ssub.s32 @!p0 $0x0, s1;
	[sflag:s0] =	ssyncset.done @!p0 $0x0  }
0x166: {  	[sflag:s0] =	ssyncadd.s32 @!p0 s1  }
0x167: {  	[bflag:$0x3] =	sbarrier.arrive $0xFFFF  }
0x168: {  	_ =	shalt  }

// kernel: sparse-core-data-format-call.cloned.1.call-start
scs
called_computation_lowered:
.L_overlay_start_0:
0x0: {  	s2 =	sld [smem:$0x3FD9]  }
0x1: {  	s3 =	sld [smem:$0x3FFE];
	_ =	sdelay $0x1  }
0x2: {  	s1 =	srdreg.scid  }
0x3: {  	s0 =	sand.u32 $0x1, s1  }
0x4: {  	s18 =	sshll.u32 s0, $0xA;
	s2 =	sadd.s32 s3, s2  }
0x5: {  	s2 =	sadd.s32 s2, s18  }
0x6: {  	[smem:$0x3FC6] =	sst s2  }
0x7: {  	_ = 	snop  }
0x8: {  	s2 =	sld [smem:$0x3FD0];
	(tm) =	ssettm $0x1  }
0x9: {  	s19 =	sld [smem:$0x3FFB];
	_ =	sdelay $0x3  }
0xa: {  	_ =	strace s19  }
0xb: {  	s3 =	sld [smem:$0x3FFC];
	_ =	sdelay $0x3  }
0xc: {  	_ =	strace s3  }
0xd: {  	s3 =	sld [smem:$0x3FFD];
	_ =	sdelay $0x3  }
0xe: {  	_ =	strace s3  }
0xf: {  	_ =	strace $0x8FFFFFFF  }
0x10: {  	s20 =	sld [smem:$0x3FDB];
	_ =	sdelay $0x1  }
0x11: {  	s4 =	simm.s32 $_scs_section_size  }
0x12: {  	s5 =	simm.s32 $_size__tile_overlayer_lowered;
	s6 =	simm.s32 $_tile_overlayer_lowered  }
0x13: {  	s23 =	simm.s32 $0x1BFF;
	s22 =	sshll.u32 s6, $0x1;
	s3 =	sadd.s32 s4, s20  }
0x14: {  	s7 =	simm.s32 $0x0;
	s21 =	sshll.u32 s5, $0x1;
	s5 =	sadd.s32 s22, s3  }
0x15: {  	[timem:s7], [sflag:s23] =	dma.local [hbm:s5], s21  }
0x16: {  	_ =	swait.ge [sflag:s23], s21  }
0x17: {  	s4 =	ssub.s32 $0x0, s21;
	[sflag:s23] =	ssyncset.done $0x0  }
0x18: {  	[sflag:s23] =	ssyncadd.s32 s4;
	_ =	sdelay $0x1  }
0x19: {  	s24 =	simm.s32 $0x1B8B  }
0x1a: {  	_ =	swait.ge [sflag:s24], $0x1  }
0x1b: {  	[sflag:s24] =	ssyncset.done $0x0  }
0x1c: {  	s26 =	simm.s32 $0x1B8E;
	s25 =	sld [smem:$0x3FFE];
	[sflag:s24] =	ssyncadd.s32 $0xFFFFFFFF  }
0x1d: {  	s27 =	simm.s32 $execute0_lowered;
	[smem:$0x3FD2] =	sst s26  }
0x1e: {  	s5 =	sshll.u32 s27, $0x1;
	_ =	strace $0x80000049;
	[dreg:$0x1] =	wrdreg $0xFFFFFFFF  }
0x1f: {  	s28 =	simm.s32 $_size_execute0_lowered;
	s3 =	sadd.s32 s3, s5;
	[dreg:$0x0] =	wrdreg $0x0  }
0x20: {  	s5 =	sshll.u32 s28, $0x1;
	[dreg:$0x2] =	wrdreg s3  }
0x21: {  	[dreg:$0x3] =	wrdreg s5  }
0x22: {  	[dreg:$0x4] =	wrdreg $0xC0  }
0x23: {  	_ =	task [dreg:s7], $0x5FFFF  }
0x24: {  	[dreg:$0x1] =	wrdreg $0xFFFFFFFF  }
0x25: {  	[dreg:$0x0] =	wrdreg $0x60  }
0x26: {  	[dreg:$0x2] =	wrdreg s25  }
0x27: {  	[dreg:$0x3] =	wrdreg s2  }
0x28: {  	[dreg:$0x4] =	wrdreg $0x9  }
0x29: {  	_ =	task.clear_ibuf [dreg:s7], $0x5FFFF;
	_ =	strace $0x90000049  }
0x2a: {  	s29 =	simm.s32 $0x9;
	_ =	strace $0x8000004B  }
0x2b: {  	_ =	swait.ge [sflag:s29], $0x1  }
0x2c: {  	[sflag:s29] =	ssyncadd.s32 $0xFFFFFFFF  }
0x2d: {  	_ =	strace $0x9000004B  }
0x2e: {  	_ =	sfence  }
0x2f: {  	s30 =	sld [smem:$0x0];
	_ =	sdelay $0x2  }
0x30: {  	s31 =	sshll.u32 s1, $0xD;
	s1 =	sshrl.u32 s1, $0x2  }
0x31: {  	s3 =	sand.u32 $0x4000, s31;
	s1 =	sadd.s32 s1, s30  }
0x32: {  	s0 =	sor.u32 s3, s0;
	s1 =	sshll.u32 s1, $0x11  }
0x33: {  	s0 =	sor.u32 s1, s0  }
0x34: {  	s0 =	sadd.s32 $0x8F2B, s0  }
0x35: {  	[sflag:s0] =	ssyncadd.remote.s32 $0x1  }
0x36: {  	_ =	sfence.sel $0xFFFF  }
0x37: {  	[dreg:$0x0] =	wrdreg $0xFFFFFFFF;
	(pc) =	sbr.abs _section_cstart, $3  }
0x38: {  	[dreg:$0x1] =	wrdreg $0xFFFFFFFF  }
0x39: {  	_ =	task.clear_ibuf [dreg:s7], $0x2FFFF;
	_ =	strace $0x9FFFFFFF  }
0x3a: {  	(tm) =	ssettm $0x7FFFFFFF  }
0x3b: {  	_ =	shalt  }
tec
execute0_lowered:
.L_overlay_start_1:
0x0: {  	(tag) =	ssettag $0x1  }
0x1: {  	s5 =	rddreg [dreg:$0x0]  }
0x2: {  	s0 =	srdreg.scid;
	s3 =	rddreg [dreg:$0x1];
	s7 =	simm.s32 $0x1  }
0x3: {  	s8 =	simm.s32 $0x2;
	s16 =	simm.s32 $0x0;
	s1 =	sshll.u32 s0, $0x4  }
0x4: {  	s18 =	simm.s32 $0x0;
	s0 =	stileid.u32;
	s1 =	sand.u32 $0x10, s1  }
0x5: {  	s17 =	simm.s32 $0x0;
	s9 =	simm.s32 $0x0;
	s1 =	sor.u32 s0, s1  }
0x6: {  	s10 =	simm.s32 $0x0;
	s11 =	simm.s32 $0x0;
	s2 =	sshll.u32 s1, $0x7  }
0x7: {  	s12 =	simm.s32 $0x0;
	s13 =	simm.s32 $0x0;
	s6 =	ssub.s32 $0x1000, s2  }
0x8: {  	s15 =	simm.s32 $0x0;
	s5 =	sadd.s32 $0xA00, s5;
	s4 =	sand.u32 $0xF80, s6  }
.Ltmp0:
0x9: {  	s1 =	rddreg [dreg:$0x2];
	p0 =	sne.s32 s4, $0x0;
	(pc) =	sbr.rel .LBB1_1-.Ltmp0, $4  }
0xa: {  	_ =	strace $0x8000004A;
	s6 =	sshrl.u32 s6, $0xC;
	s7 =	simm.s32 @!p0 $0x0  }
0xb: {  	s14 =	smov.u32 s2;
	s4 =	simm.s32 $0x1;
	s6 =	sadd.s32 s7, s6  }
0xc: {  	[sflag:s4] =	ssyncpa.u1 $0x0;
	p0 =	por $0x0, $0x0;
	s6 =	sshll.u32 s6, $0x6  }
0xd: {  	[sflag:s8] =	ssyncpa.u1 $0x0;
	s8 =	simm.s32 $0x8000;
	s7 =	sor.u32 $0x1, s6  }
.LBB1_4:
0xe: {  	s23 =	sshra.s32 s23, $0x2;
	s30 =	sshll.u32 s9, $0xC  }
0xf: {  	p1 =	sgt.s32 s10, $0x1F;
	s24 =	smov.u32 s10;
	s25 =	sshra.s32 s10, $0x1F  }
0x10: {  	s26 =	sshll.u32 s11, $0x3;
	s28 =	smov.u32 s11;
	s29 =	sshra.s32 s11, $0x1F  }
0x11: {  	s22 =	sadd.s32 s23, s22;
	s24 =	simm.s32 @!p1 $0x1F;
	s25 =	sand.u32 s25, s10  }
0x12: {  	s23 =	sand.u32 $0xFFFF8000, s30;
	s27 =	sand.u32 $0xFFFFFC00, s26;
	p1 =	sgt.s32 s9, $0x48  }
0x13: {  	s31 =	sand.u32 s29, s11;
	s29 =	sshll.u32 s9, $0x7;
	s30 =	sshra.s32 s9, $0x1F  }
0x14: {  	[tilespmem:s21+$0x2040 ss:$0x81] =	vst.msk $0xffff, v4;
	s24 =	ssub.s32 s24, s25;
	s23 =	sadd.s32 s27, s23;
	s27 =	smov.u32 s9  }
0x15: {  	[tilespmem:s21+$0x2850 ss:$0x81] =	vst.msk $0xffff, v3;
	s29 =	sand.u32 $0x380, s29;
	s25 =	sadd.s32 $0xFFFFFFE1, s24;
	s27 =	simm.s32 @!p1 $0x48  }
0x16: {  	v5 =	vld [tilespmem:s20+$0xFFFFFFD0];
	[tilespmem:s21+$0x3060 ss:$0x81] =	vst.msk $0xffff, v2;
	p1 =	sgt.s32 s11, $0xF80;
	s23 =	sshrl.u32 s23, $0xC;
	s24 =	ssub.s32 $0x20, s24  }
0x17: {  	v58 =	vld [tilespmem:s20+$0xFFFFFFE0];
	[tilespmem:s21+$0x0 ss:$0x81] =	vst.msk $0xffff, v1;
	s28 =	simm.s32 @!p1 $0xF80;
	p1 =	sgt.s32 s25, $0x0;
	s21 =	smulhi.u32 $0x147AE15, s23  }
0x18: {  	v59 =	vld [tilespmem:s20+$0xFFFFFFF0];
	s25 =	ssub.s32 s28, s31;
	s28 =	sand.u32 s30, s9;
	s24 =	simm.s32 @p1 $0x0  }
0x19: {  	v60 =	vld [tilespmem:s20+$0x0];
	s27 =	ssub.s32 s27, s28;
	s31 =	sadd.s32 $0xFFFFF080, s25;
	s25 =	ssub.s32 $0x1000, s25  }
0x1a: {  	v61 =	vld [tilespmem:s20+$0x10];
	[tilespmem:s22+$0x3870 ss:$0x81] =	vst.msk $0xffff, v0;
	s21 =	smul.u32 $0xC8, s21;
	s28 =	sand.u32 $0x7, s11;
	p1 =	sgt.s32 s31, $0x7F  }
0x1b: {  	v62 =	vld [tilespmem:s20+$0x20];
	[tilespmem:s22+$0x810 ss:$0x81] =	vst.msk $0xffff, v5;
	s30 =	sadd.s32 $0xFFFFFFB8, s27;
	s31 =	sand.u32 $0x78, s11;
	s25 =	simm.s32 @p1 $0x0  }
0x1c: {  	v63 =	vld [tilespmem:s20+$0xFFFFFFC0];
	[tilespmem:s22+$0x1020 ss:$0x81] =	vst.msk $0xffff, v58;
	p1 =	sgt.s32 s30, $0x7F;
	s30 =	sand.u32 $0xC00, s26;
	s24 =	smul.u32 s25, s24  }
0x1d: {  	[tilespmem:s22+$0x1830 ss:$0x81] =	vst.msk $0xffff, v59;
	s26 =	ssub.s32 $0xC8, s27;
	s20 =	sor.u32 s31, s30;
	s31 =	smul.u32 $0x19000, s10  }
0x1e: {  	[tilespmem:s22+$0x2040 ss:$0x81] =	vst.msk $0xffff, v60;
	s21 =	ssub.s32 s23, s21;
	s26 =	simm.s32 @p1 $0x0;
	s20 =	sor.u32 s29, s20  }
0x1f: {  	[tilespmem:s22+$0x2850 ss:$0x81] =	vst.msk $0xffff, v61;
	s26 =	smul.u32 s26, s24;
	s20 =	sshrl.u32 s20, $0x3;
	s27 =	sadd.s32 s3, s31  }
0x20: {  	[tilespmem:s22+$0x3060 ss:$0x81] =	vst.msk $0xffff, v62;
	s21 =	sshll.u32 s21, $0x9;
	s29 =	sshll.u32 s28, $0x12;
	s20 =	sadd.s32 s20, s27  }
0x21: {  	[tilespmem:s22+$0x0 ss:$0x81] =	vst.msk $0xffff, v63;
	s31 =	sor.u32 $0x400, s29;
	s30 =	sand.u32 $0x3FFFFFFF, s26;
	s20 =	sadd.s32 s21, s20  }
0x22: {  	[hbm4b:s20+s31] =	stream.strided.scatter [tilespmem:s19], [sflag:$0x2], s30, s8, s31, $0x20;
	[tilespmem:$0x10100] =	vst v63  }
.LBB1_5:
0x23: {  	p1 =	slt.u32 s15, $0x2  }
0x24: {  	p2 =	sgt.s32 @!p1 s18, $0x1F  }
0x25: {  	s19 =	smov.u32 s18;
	s20 =	sshra.s32 @!p1 s18, $0x1F;
	p2 =	por !p2, p1  }
0x26: {  	s18 =	sand.u32 @!p1 s20, s18;
	s19 =	simm.s32 @p2 $0x1F  }
0x27: {  	p3 =	sgt.s32 @!p1 s16, $0x48;
	s18 =	ssub.s32 @!p1 s19, s18  }
0x28: {  	p4 =	sgt.s32 @!p1 s17, $0xF80;
	s21 =	sshra.s32 @!p1 s17, $0x1F;
	s19 =	sadd.s32 @!p1 $0xFFFFFFE1, s18  }
0x29: {  	s20 =	smov.u32 s16;
	p2 =	sgt.s32 @!p1 s19, $0x0;
	s19 =	sshra.s32 @!p1 s16, $0x1F  }
0x2a: {  	p4 =	por !p4, p1;
	s16 =	sand.u32 @!p1 s19, s16;
	s19 =	smov.u32 s17  }
0x2b: {  	p3 =	por !p3, p1;
	s17 =	sand.u32 @!p1 s21, s17;
	s19 =	simm.s32 @p4 $0xF80  }
0x2c: {  	s20 =	simm.s32 @p3 $0x48;
	s18 =	ssub.s32 @!p1 $0x20, s18;
	s17 =	ssub.s32 @!p1 s19, s17  }
0x2d: {  	p2 =	por !p2, p1;
	s16 =	ssub.s32 @!p1 s20, s16;
	s20 =	sadd.s32 @!p1 $0xFFFFF080, s17  }
0x2e: {  	s18 =	simm.s32 @!p2 $0x0;
	p3 =	sgt.s32 @!p1 s20, $0x7F  }
0x2f: {  	s19 =	sadd.s32 @!p1 $0xFFFFFFB8, s16;
	s17 =	ssub.s32 @!p1 $0x1000, s17;
	p3 =	por !p3, p1  }
0x30: {  	p2 =	sgt.s32 @!p1 s19, $0x7F;
	s19 =	sadd.s32 $0x80, s12;
	s17 =	simm.s32 @!p3 $0x0  }
0x31: {  	p3 =	sgt.s32 s19, $0xC7;
	s17 =	smul.u32 @!p1 s17, s18;
	s18 =	simm.s32 $0x1  }
0x32: {  	s16 =	ssub.s32 @!p1 $0xC8, s16;
	p2 =	por !p2, p1;
	s18 =	simm.s32 @!p3 $0x0  }
0x33: {  	s21 =	smov.u32 s14;
	s16 =	simm.s32 @!p2 $0x0;
	s20 =	sadd.s32 s18, s13  }
0x34: {  	s16 =	smul.u32 @!p1 s16, s17;
	s17 =	sadd.s32 $0x1000, s14;
	p2 =	sgt.s32 s20, $0x1F  }
0x35: {  	p0 =	por !p0, !p0;
	s22 =	simm.s32 @!p1 $0x2;
	s21 =	smov.u32 @p2 s17  }
0x36: {  	s19 =	simm.s32 @p3 $0x0;
	s20 =	simm.s32 @p2 $0x0;
	p2 =	sgt.s32 s21, $0xFFF  }
0x37: {  	s18 =	smov.u32 s10;
	s21 =	smov.u32 @p2 s2;
	p2 =	sne.s32 s15, s7  }
.Ltmp1:
0x38: {  	s10 =	smov.u32 s13;
	s16 =	sand.u32 @!p1 $0x3FFFFFFF, s16;
	(pc) =	sbr.rel @!p2 .LBB1_6-.Ltmp1, $4  }
0x39: {  	s17 =	smov.u32 s11;
	s11 =	smov.u32 s14;
	_ =	swait.ge @!p1 [sflag:s22], s16  }
0x3a: {  	s23 =	ssub.s32 @!p1 $0x0, s16;
	s16 =	smov.u32 s9;
	s9 =	smov.u32 s12  }
0x3b: {  	s12 =	smov.u32 s19;
	s13 =	smov.u32 s20;
	[sflag:s22] =	ssyncset.done @!p1 $0x0  }
0x3c: {  	s15 =	sadd.s32 $0x1, s15;
	[sflag:s22] =	ssyncadd.s32 @!p1 s23;
	s14 =	smov.u32 s21  }
.LBB1_1:
0x3d: {  	p1 =	sge.u32 s15, s6  }
0x3e: {  	s31 =	sadd.s32 $0xFFFFFFFF, s15;
	s19 =	sxor.u32 @!p1 $0xFFFFFFFF, s15  }
0x3f: {  	s20 =	sshll.u32 @!p1 s13, $0x8;
	s21 =	sshll.u32 @!p1 s12, $0x3;
	s22 =	sshll.u32 @!p1 s13, $0x7  }
0x40: {  	s23 =	sand.u32 @!p1 $0x78, s12;
	s20 =	sand.u32 @!p1 $0x1800, s20;
	s21 =	sand.u32 @!p1 $0x1C00, s21  }
0x41: {  	s19 =	sshll.u32 @!p1 s19, $0xE;
	s20 =	sadd.s32 @!p1 s20, s21;
	s21 =	sand.u32 @!p1 $0x300, s22  }
0x42: {  	s19 =	sand.u32 @!p1 $0x4000, s19;
	s20 =	sor.u32 @!p1 s21, s20;
	s21 =	sand.u32 @!p1 $0x80, s22  }
0x43: {  	s22 =	sshll.u32 @!p1 s14, $0xA;
	s21 =	sor.u32 @!p1 s23, s21;
	s20 =	sshrl.u32 @!p1 s20, $0x3  }
0x44: {  	s22 =	sadd.s32 @!p1 s5, s22;
	s23 =	sand.u32 @!p1 $0x7, s12;
	s21 =	sshrl.u32 @!p1 s21, $0x3  }
0x45: {  	s20 =	sand.u32 @!p1 $0x3E0, s20;
	s21 =	sadd.s32 @!p1 s21, s22;
	s22 =	sshll.u32 @!p1 s23, $0x12  }
0x46: {  	s20 =	sadd.s32 @!p1 s20, s21;
	s21 =	sor.u32 @!p1 $0x80, s22;
	s22 =	simm.s32 @!p1 $0x2000  }
0x47: {  	[tilespmem:s19], [sflag:$0x1] =	stream.strided.gather @!p1 [hbm4b:s20+s21], $0x4000, s22, s21, $0x38;
	[tilespmem:$0x10100] =	vst v63  }
0x48: {  	p1 =	sge.u32 s31, s6  }
.Ltmp2:
0x49: {  	_ = 	snop;
	(pc) =	sbr.rel @p1 .LBB1_5-.Ltmp2, $1  }
0x4a: {  	_ =	sdelay $0x3  }
0x4b: {  	s19 =	simm.s32 $0x1  }
0x4c: {  	_ =	swait.ge [sflag:s4], $0x4000;
	s19 =	simm.s32 @!p0 $0x0  }
0x4d: {  	[sflag:s4] =	ssyncset.done $0x0;
	s20 =	sshll.u32 s19, $0xE  }
0x4e: {  	[sflag:s4] =	ssyncadd.s32 $0xFFFFC000;
	s20 =	sor.u32 $0x40, s20  }
0x4f: {  	s19 =	smul.u32 $0x10200, s19;
	v0 =	vld [tilespmem:s20+$0x30]  }
0x50: {  	v1 =	vld [tilespmem:s20+$0xFFFFFFD0]  }
0x51: {  	s19 =	sshrl.u32 s19, $0x2;
	v5 =	vld [tilespmem:s20+$0xFFFFFFE0]  }
0x52: {  	v6 =	vld [tilespmem:s20+$0xFFFFFFF0];
	s22 =	sor.u32 $0x8000, s19  }
0x53: {  	s31 =	sand.u32 $0x1, s15;
	v4 =	vld [tilespmem:s20+$0x0];
	s21 =	sadd.s32 $0x0, s22  }
0x54: {  	v3 =	vld [tilespmem:s20+$0x10];
	s19 =	smul.u32 $0x10200, s31;
	[tilespmem:s21+$0x3870 ss:$0x81] =	vst.msk $0xffff, v0  }
0x55: {  	v2 =	vld [tilespmem:s20+$0x20];
	[tilespmem:s21+$0x810 ss:$0x81] =	vst.msk $0xffff, v1  }
0x56: {  	s19 =	sshrl.u32 s19, $0x2;
	v1 =	vld [tilespmem:s20+$0xFFFFFFC0];
	[tilespmem:s21+$0x1020 ss:$0x81] =	vst.msk $0xffff, v5;
	s20 =	sadd.s32 $0x80, s20  }
0x57: {  	s23 =	simm.s32 $0x4;
	s24 =	simm.s32 $0x8;
	s19 =	sor.u32 $0x8000, s19;
	[tilespmem:s21+$0x1830 ss:$0x81] =	vst.msk $0xffff, v6;
	v0 =	vld [tilespmem:s20+$0x30]  }
.LBB1_3:
0x58: {  	p1 =	sne.s32 s24, $0x1FC;
	v5 =	vld [tilespmem:s20+$0xFFFFFFD0];
	[tilespmem:s21+$0x2040 ss:$0x81] =	vst.msk $0xffff, v4  }
0x59: {  	v6 =	vld [tilespmem:s20+$0xFFFFFFE0];
	[tilespmem:s21+$0x2850 ss:$0x81] =	vst.msk $0xffff, v3  }
0x5a: {  	s25 =	sshra.s32 s23, $0x2;
	s23 =	smov.u32 s24;
	v7 =	vld [tilespmem:s20+$0xFFFFFFF0];
	[tilespmem:s21+$0x3060 ss:$0x81] =	vst.msk $0xffff, v2  }
.Ltmp3:
0x5b: {  	v4 =	vld [tilespmem:s20+$0x0];
	[tilespmem:s21+$0x0 ss:$0x81] =	vst.msk $0xffff, v1;
	s21 =	sadd.s32 s25, s22;
	(pc) =	sbr.rel @p1 .LBB1_3-.Ltmp3, $4  }
0x5c: {  	v3 =	vld [tilespmem:s20+$0x10];
	[tilespmem:s21+$0x3870 ss:$0x81] =	vst.msk $0xffff, v0  }
0x5d: {  	[tilespmem:s21+$0x810 ss:$0x81] =	vst.msk $0xffff, v5;
	v2 =	vld [tilespmem:s20+$0x20]  }
0x5e: {  	v1 =	vld [tilespmem:s20+$0xFFFFFFC0];
	[tilespmem:s21+$0x1020 ss:$0x81] =	vst.msk $0xffff, v6;
	s20 =	sadd.s32 $0x80, s20  }
0x5f: {  	s24 =	sadd.s32 $0x4, s24;
	v0 =	vld [tilespmem:s20+$0x30];
	[tilespmem:s21+$0x1830 ss:$0x81] =	vst.msk $0xffff, v7  }
.Ltmp4:
0x60: {  	_ = 	snop;
	(pc) =	sbr.rel .LBB1_4-.Ltmp4, $1  }
0x61: {  	_ =	sdelay $0x3  }
.LBB1_6:
0x62: {  	_ =	sfence.sel $0x180000  }
0x63: {  	s2 =	simm.s32 $0x1;
	[bflag:$0x0] =	sbarrier.arrive $0xFFFF  }
0x64: {  	s31 =	simm.s32 $0x2;
	[sflag:s2] =	ssyncpa.u1 $0x1  }
0x65: {  	[sflag:s31] =	ssyncpa.u1 $0x1  }
0x66: {  	p0 =	sne.s32 s0, $0x0;
	_ =	strace $0x9000004A  }
0x67: {  	s0 =	sadd.s32 @!p0 $0x100000, s1;
	[bflag:$0x2] =	sbarrier.arrive $0xFFFF  }
0x68: {  	[sflag:s0] =	ssyncadd.tile.s32 @!p0 $0x1;
	_ =	shalt  }
.Lfunc_end1:
_tile_overlayer_lowered:
.L_overlay_start_2:
0x69: {  	(tag) =	ssettag $0x2  }
0x6a: {  	s0 =	rddreg [dreg:$0x0];
	s2 =	stileid.u32  }
0x6b: {  	s1 =	rddreg [dreg:$0x1];
	p0 =	sne.s32 s2, $0x0  }
0x6c: {  	s3 =	rddreg [dreg:$0x2];
	[bflag:$0x3] =	sbarrier.arrive $0xFFFF;
	s2 =	simm.s32 @!p0 $0x1C01  }
0x6d: {  	[timem:s3], [sflag:s2] =	dma.local @!p0 [hbm:s0], s1  }
0x6e: {  	s0 =	simm.s32 @!p0 $0x1  }
0x6f: {  	_ =	swait.ge @!p0 [sflag:s0], s1  }
0x70: {  	s1 =	ssub.s32 @!p0 $0x0, s1;
	[sflag:s0] =	ssyncset.done @!p0 $0x0  }
0x71: {  	[sflag:s0] =	ssyncadd.s32 @!p0 s1  }
0x72: {  	[bflag:$0x3] =	sbarrier.arrive $0xFFFF  }
0x73: {  	_ =	shalt  }

</sc_bundles>
